<compile_context>
chip_gen: v7x
topology: tpu7x:2x2x1
jax: 0.10.2.dev20260603
libtpu: 0.0.44.dev20260713+nightly
codegen_flags: <defaults>
</compile_context>

<pallas_src>
import functools

import jax
import jax.numpy as jnp
from jax import lax
from jax.experimental import pallas as pl
from jax.experimental.pallas import tpu as pltpu
from jax.experimental.pallas import tpu_sc as plsc

BS = 32
L = 2048
D_IN = 512
D_EMB = 1024
H = 512
K = 102
KP = 104
NW = 32
BLEND = 0.1
NEG = -3.4e38


def _amax_len(text):
    def body(t_ref, amax_ref, len_ref):
        t = t_ref[...]
        m = jnp.max(t, axis=1, keepdims=True)
        pos = lax.broadcasted_iota(jnp.int32, (BS, L), 1)
        amax_ref[...] = jnp.min(jnp.where(t == m, pos, L), axis=1, keepdims=True)
        ln = jnp.sum(jnp.where(t != 0, 1, 0), axis=1, keepdims=True) - 2
        len_ref[...] = jnp.clip(ln, 1, K)
    return pl.pallas_call(
        body,
        out_shape=(jax.ShapeDtypeStruct((BS, 1), jnp.int32),
                   jax.ShapeDtypeStruct((BS, 1), jnp.int32)),
    )(text)


def _extract_rows(atten, text3, amax):
    grid_spec = pltpu.PrefetchScalarGridSpec(
        num_scalar_prefetch=1,
        grid=(BS,),
        in_specs=[
            pl.BlockSpec((1, 8, L), lambda b, am: (b, am[b, 0] // 8, 0)),
            pl.BlockSpec((1, 1, L), lambda b, am: (b, 0, 0)),
        ],
        out_specs=pl.BlockSpec((1, 1, L), lambda b, am: (b, 0, 0)),
    )

    def body(am_ref, at_ref, tx_ref, out_ref):
        b = pl.program_id(0)
        a = am_ref[b, 0]
        a8 = at_ref[0]
        sub = lax.broadcasted_iota(jnp.int32, (8, L), 0)
        row = jnp.sum(jnp.where(sub == a % 8, a8, 0.0), axis=0, keepdims=True)
        t = tx_ref[0]
        pos = lax.broadcasted_iota(jnp.int32, (1, L), 1)
        row = jnp.where(pos == a, -1.0, row)
        row = jnp.where(pos == 0, -1.0, row)
        out_ref[0] = jnp.where(t != 0, row, -10000.0)

    return pl.pallas_call(
        body, grid_spec=grid_spec,
        out_shape=jax.ShapeDtypeStruct((BS, 1, L), jnp.float32),
    )(amax, atten, text3)


def _topk(rows3):
    def body(rows_ref, tv_ref, ti_ref, scr):
        scr[...] = rows_ref[:, 0, :]
        pos = lax.broadcasted_iota(jnp.int32, (BS, L), 1)
        kio = lax.broadcasted_iota(jnp.int32, (BS, KP), 1)
        boff = lax.broadcasted_iota(jnp.int32, (BS, KP), 0) * L

        def step(j, carry):
            tv, ti = carry
            r = scr[...]
            m = jnp.max(r, axis=1, keepdims=True)
            idx = jnp.min(jnp.where(r == m, pos, L), axis=1, keepdims=True)
            scr[...] = jnp.where(pos == idx, NEG, r)
            tv = jnp.where(kio == j, m, tv)
            ti = jnp.where(kio == j, idx, ti)
            return tv, ti

        tv0 = jnp.zeros((BS, KP), jnp.float32)
        ti0 = jnp.zeros((BS, KP), jnp.int32)
        tv, ti = lax.fori_loop(0, K, step, (tv0, ti0))
        tv_ref[...] = tv
        ti_ref[...] = ti + boff

    return pl.pallas_call(
        body,
        out_shape=(jax.ShapeDtypeStruct((BS, KP), jnp.float32),
                   jax.ShapeDtypeStruct((BS, KP), jnp.int32)),
        scratch_shapes=[pltpu.VMEM((BS, L), jnp.float32)],
    )(rows3)


def _sc_gather(feat_flat, idx):
    mesh = plsc.VectorSubcoreMesh(core_axis_name="c", subcore_axis_name="s")

    @functools.partial(
        pl.kernel, mesh=mesh,
        out_type=jax.ShapeDtypeStruct((NW * KP, D_IN), jnp.float32),
        scratch_types=[
            pltpu.VMEM((KP,), jnp.int32),
            pltpu.VMEM((KP, D_IN), jnp.float32),
            pltpu.SemaphoreType.DMA,
        ],
    )
    def k(feat_hbm, idx_hbm, out_hbm, idx_v, rows_v, sem):
        wid = lax.axis_index("s") * 2 + lax.axis_index("c")
        pltpu.sync_copy(idx_hbm.at[wid], idx_v)
        pltpu.async_copy(feat_hbm.at[idx_v], rows_v, sem).wait()
        pltpu.sync_copy(rows_v, out_hbm.at[pl.ds(wid * KP, KP)])

    return k(feat_flat, idx)


G = 8


def _dense(gf, tv3, len3, l0W, l0b2, W_lin, bl2, l1W, l1b2, g2, bb2,
           h0W, h0b2, h1W, h1b2):
    M = G * KP

    def body(gf_ref, tv_ref, len_ref, l0W_ref, l0b_ref, Wl_ref,
             bl_ref, l1W_ref, l1b_ref, g_ref, bb_ref, h0W_ref, h0b_ref,
             h1W_ref, h1b_ref, out_ref, fnS, x0S, statS):
        p = pl.program_id(0)
        i = pl.program_id(1)

        @pl.when(p == 0)
        def _phase0():
            g = gf_ref[...]
            ss = jnp.sum(g * g, axis=1, keepdims=True)
            fn = g / (jnp.sqrt(ss) + 1e-8)
            fnS[pl.ds(i * M, M)] = fn
            x0 = lax.dot_general(fn, l0W_ref[...], (((1,), (1,)), ((), ())),
                                 preferred_element_type=jnp.float32) + l0b_ref[...]
            x0S[pl.ds(i * M, M)] = x0
            rm = (lax.broadcasted_iota(jnp.int32, (M, 1), 0) % KP < K
                  ).astype(jnp.float32)
            s1 = jnp.sum(x0 * rm, axis=0, keepdims=True)
            s2 = jnp.sum(x0 * x0 * rm, axis=0, keepdims=True)
            part = jnp.concatenate([s1, s2], axis=0)
            prev = statS[...]
            statS[...] = jnp.where(i == 0, part, prev + part)

        @pl.when(p == 1)
        def _phase1():
            mu = statS[0:1, :] / (BS * K)
            var = statS[1:2, :] / (BS * K) - mu * mu
            rstd = lax.rsqrt(var + 1e-5)
            x0_ref = x0S.at[pl.ds(i * M, M)]
            fn_ref = fnS.at[pl.ds(i * M, M)]
            _tail(fn_ref, x0_ref, mu, rstd, tv_ref, len_ref, Wl_ref, bl_ref,
                  l1W_ref, l1b_ref, g_ref, bb_ref, h0W_ref, h0b_ref,
                  h1W_ref, h1b_ref, out_ref)

    def _tail(fn_ref, x0_ref, mu, rstd, tv_ref, len_ref, Wl_ref,
              bl_ref, l1W_ref, l1b_ref, g_ref, bb_ref, h0W_ref, h0b_ref,
              h1W_ref, h1b_ref, out_ref):
        xb = (x0_ref[...] - mu) * rstd * g_ref[...] + bb_ref[...]
        xb = jnp.maximum(xb, 0.0)
        x1 = lax.dot_general(xb, l1W_ref[...], (((1,), (1,)), ((), ())),
                             preferred_element_type=jnp.float32) + l1b_ref[...]
        cap = lax.dot_general(fn_ref[...], Wl_ref[...], (((1,), (1,)), ((), ())),
                              preferred_element_type=jnp.float32) + bl_ref[...]
        f2 = x1 + cap
        h = jnp.maximum(
            lax.dot_general(f2, h0W_ref[...], (((1,), (1,)), ((), ())),
                            preferred_element_type=jnp.float32) + h0b_ref[...],
            0.0)
        for s in range(G):
            f2s = f2[s * KP:(s + 1) * KP]
            hs = h[s * KP:(s + 1) * KP]
            logits = lax.dot_general(h1W_ref[...], hs, (((1,), (1,)), ((), ())),
                                     preferred_element_type=jnp.float32) + h1b_ref[...]
            logits = logits + 0.1 * tv_ref[s]
            n_valid = len_ref[s, 0, 0]
            valid = lax.broadcasted_iota(jnp.int32, (1, KP), 1) < n_valid
            logits = jnp.where(valid, logits, -10000.0)
            mx = jnp.max(logits, axis=1, keepdims=True)
            e = jnp.exp(logits - mx)
            w = e / jnp.sum(e, axis=1, keepdims=True)
            fw = lax.dot_general(w, f2s, (((1,), (0,)), ((), ())),
                                 preferred_element_type=jnp.float32)
            validc = lax.broadcasted_iota(jnp.int32, (KP, 1), 0) < n_valid
            fmax = jnp.max(jnp.where(validc, f2s, NEG), axis=0, keepdims=True)
            out_ref[s] = (1.0 - BLEND) * fmax + BLEND * fw

    full = lambda shape: pl.BlockSpec(shape, lambda p, i: tuple(0 for _ in shape))
    return pl.pallas_call(
        body,
        grid=(2, BS // G),
        in_specs=[
            pl.BlockSpec((M, D_IN), lambda p, i: (jnp.where(p == 0, i, 0), 0)),
            pl.BlockSpec((G, 1, KP), lambda p, i: (i, 0, 0)),
            pl.BlockSpec((G, 1, 1), lambda p, i: (i, 0, 0)),
            full((H, D_IN)),
            full((1, H)),
            full((D_EMB, D_IN)),
            full((1, D_EMB)),
            full((D_EMB, H)),
            full((1, D_EMB)),
            full((1, H)),
            full((1, H)),
            full((H, D_EMB)),
            full((1, H)),
            full((1, H)),
            full((1, 1)),
        ],
        out_specs=pl.BlockSpec((G, 1, D_EMB), lambda p, i: (i, 0, 0)),
        out_shape=jax.ShapeDtypeStruct((BS, 1, D_EMB), jnp.float32),
        scratch_shapes=[
            pltpu.VMEM((BS * KP, D_IN), jnp.float32),
            pltpu.VMEM((BS * KP, H), jnp.float32),
            pltpu.VMEM((2, H), jnp.float32),
        ],
    )(gf, tv3, len3, l0W, l0b2, W_lin, bl2, l1W, l1b2, g2, bb2,
      h0W, h0b2, h1W, h1b2)


def kernel(features, text, atten, W_lin, b_lin, mlp_l0_W, mlp_l0_b, bn0_g,
           bn0_b, mlp_l1_W, mlp_l1_b, head_l0_W, head_l0_b, head_l1_W,
           head_l1_b):
    text = text.astype(jnp.int32)
    amax, lengths = _amax_len(text)
    rows3 = _extract_rows(atten, text.reshape(BS, 1, L), amax)
    tv, tif = _topk(rows3)
    gf = _sc_gather(features.reshape(BS * L, D_IN), tif)
    out3 = _dense(gf, tv.reshape(BS, 1, KP), lengths.reshape(BS, 1, 1),
                  mlp_l0_W, mlp_l0_b.reshape(1, H),
                  W_lin, b_lin.reshape(1, D_EMB),
                  mlp_l1_W, mlp_l1_b.reshape(1, D_EMB),
                  bn0_g.reshape(1, H), bn0_b.reshape(1, H),
                  head_l0_W, head_l0_b.reshape(1, H),
                  head_l1_W, head_l1_b.reshape(1, 1))
    return out3.reshape(BS, D_EMB)

# --- scband reference (transcript-rebuilt; emitter-appended) ---
"""Pipeline reference for scband-texual-embedding-layer-42167988913018 (READ-ONLY COPY).

The authoritative reference and input builder live on the scoring server;
editing this copy changes nothing except your own understanding.
"""

import jax, jax.numpy as jnp
import numpy as np

RATIO = 0.05
BLEND = 0.1


def setup_inputs(seed: int = 0) -> dict:
    key = jax.random.key(seed)
    ks = jax.random.split(key, 16)
    D_IN, D_EMB = 512, 1024
    H = D_EMB // 2
    inp = {}
    inp["features"] = jax.random.normal(ks[0], (32, 2048, D_IN), dtype=jnp.float32)
    inp["text"] = jax.random.randint(ks[1], (32, 2048), 0, 30000)
    inp["atten"] = jax.random.normal(ks[2], (32, 2048, 2048), dtype=jnp.float32)
    inp["W_lin"] = jax.random.normal(ks[3], (D_EMB, D_IN), dtype=jnp.float32) * 0.02
    inp["b_lin"] = jnp.zeros((D_EMB,), jnp.float32)
    inp["mlp_l0_W"] = jax.random.normal(ks[4], (H, D_IN), dtype=jnp.float32) * 0.02
    inp["mlp_l0_b"] = jnp.zeros((H,), jnp.float32)
    inp["bn0_g"] = jnp.ones((H,), jnp.float32)
    inp["bn0_b"] = jnp.zeros((H,), jnp.float32)
    inp["mlp_l1_W"] = jax.random.normal(ks[5], (D_EMB, H), dtype=jnp.float32) * 0.02
    inp["mlp_l1_b"] = jnp.zeros((D_EMB,), jnp.float32)
    inp["head_l0_W"] = jax.random.normal(ks[6], (H, D_EMB), dtype=jnp.float32) * 0.02
    inp["head_l0_b"] = jnp.zeros((H,), jnp.float32)
    inp["head_l1_W"] = jax.random.normal(ks[7], (1, H), dtype=jnp.float32) * 0.02
    inp["head_l1_b"] = jnp.zeros((1,), jnp.float32)
    return inp


def _forward(features, atten, W_lin, b_lin, mlp_l0_W, mlp_l0_b, bn0_g, bn0_b, mlp_l1_W, mlp_l1_b, head_l0_W, head_l0_b, head_l1_W, head_l1_b, text):
    bs, L, D = features.shape
    D_EMB = W_lin.shape[0]
    mask_i = (text != 0).astype(jnp.int32)
    lengths = mask_i.sum(1) - 2
    k = max(1, int((atten.shape[1] - 2) * RATIO))
    amax = jnp.argmax(text, axis=-1)
    bidx = jnp.arange(bs)
    atten = atten.at[bidx, :, amax].set(-1.0)
    atten = atten.at[bidx, :, 0].set(-1.0)
    atten = atten[bidx, amax, :]
    atten = atten * mask_i.astype(atten.dtype)
    atten = jnp.where(mask_i == 0, -10000.0, atten)
    topv, topi = jax.lax.top_k(atten, k)
    feats = jnp.take_along_axis(features, jnp.broadcast_to(topi[:, :, None], (bs, k, D)), axis=1)
    norm = jnp.sqrt(jnp.sum(feats * feats, axis=-1, keepdims=True)) + 1e-8
    feats = feats / norm
    lengths = jnp.maximum(jnp.minimum(lengths, k), 1)
    valid = jnp.arange(k)[None, :] < lengths[:, None]
    cap = feats.astype(jnp.float16) @ W_lin.T.astype(jnp.float16) + b_lin.astype(jnp.float16)
    x = feats.reshape(bs * k, D)
    x = x @ mlp_l0_W.T + mlp_l0_b
    mu = x.mean(axis=0)
    var = x.var(axis=0)
    x = (x - mu) / jnp.sqrt(var + 1e-5) * bn0_g + bn0_b
    x = jax.nn.relu(x)
    x = x @ mlp_l1_W.T + mlp_l1_b
    x = x.reshape(bs, k, D_EMB)
    feats2 = x + cap.astype(jnp.float32)
    h = jax.nn.relu(feats2 @ head_l0_W.T + head_l0_b)
    logits = (h @ head_l1_W.T + head_l1_b)[..., 0].astype(jnp.float32)
    sel = jax.lax.stop_gradient(jnp.take_along_axis(atten, topi, axis=1)).astype(jnp.float32)
    logits = logits + 0.1 * sel
    logits = jnp.where(valid, logits, -10000.0)
    weights = jax.nn.softmax(logits, axis=1).astype(feats2.dtype)
    fw = jnp.sum(feats2 * weights[:, :, None], axis=1)
    fmax = jnp.max(jnp.where(valid[:, :, None], feats2, -jnp.inf), axis=1)
    out = (1.0 - BLEND) * fmax + BLEND * fw
    return out.astype(jnp.float32)


def reference(features, text, atten, W_lin, b_lin, mlp_l0_W, mlp_l0_b, bn0_g, bn0_b, mlp_l1_W, mlp_l1_b, head_l0_W, head_l0_b, head_l1_W, head_l1_b):
    return _forward(features, atten, W_lin, b_lin, mlp_l0_W, mlp_l0_b, bn0_g, bn0_b, mlp_l1_W, mlp_l1_b, head_l0_W, head_l0_b, head_l1_W, head_l1_b, text)

if __name__ == "__main__":
    import jax
    _d = setup_inputs()
    print(jax.jit(kernel)(*tuple(_d.values())))

</pallas_src>

<mosaic_0001>
#map = affine_map<(d0, d1) -> (0, 0)>
module attributes {stable_mosaic.version = 14 : i64} {
  func.func @k(%arg0: i32, %arg1: i32, %arg2: memref<65536x512xf32, #tpu.memory_space<hbm>>, %arg3: memref<32x104xi32, #tpu.memory_space<hbm>>, %arg4: memref<3328x512xf32, #tpu.memory_space<hbm>>, %arg5: memref<104xi32, #tpu.memory_space<vmem>>, %arg6: memref<104x512xf32, #tpu.memory_space<vmem>>, %arg7: memref<!tpu.dma_semaphore, #tpu.memory_space<semaphore_mem>>) attributes {dimension_semantics = [#tpu.dimension_semantics<core_parallel>, #tpu.dimension_semantics<subcore_parallel>], iteration_bounds = array<i64: 2, 16>, scalar_prefetch = 0 : i64, scratch_operands = 3 : i64, tpu.core_type = #tpu.core_type<sc_vector_subcore>, window_params = [{transform_indices = #map}, {transform_indices = #map}, {transform_indices = #map}]} {
    %mul3A = arith.constant 2 : i32
    %mul3A_0 = arith.muli %arg1, %mul3A : i32
    %add3A = arith.addi %mul3A_0, %arg0 : i32
    "tpu.region"() ({
      %run_scoped3A = tpu.sem_alloc : memref<!tpu.dma_semaphore, #tpu.memory_space<semaphore_mem>>
      %dma_start3A_7 = arith.constant 0 : i32
      %dma_start3A_8 = tpu.memref_slice %arg3[%add3A, %dma_start3A_7] : memref<32x104xi32, #tpu.memory_space<hbm>> -> memref<1x104xi32, #tpu.memory_space<hbm>>
      %dma_start3A_9 = tpu.memref_squeeze %dma_start3A_8 : memref<1x104xi32, #tpu.memory_space<hbm>> -> memref<104xi32, #tpu.memory_space<hbm>>
      %dma_start3A_10 = arith.constant 0 : i32
      %dma_start3A_11 = tpu.memref_slice %arg3[%add3A, %dma_start3A_10] : memref<32x104xi32, #tpu.memory_space<hbm>> -> memref<1x104xi32, #tpu.memory_space<hbm>>
      %dma_start3A_12 = tpu.memref_squeeze %dma_start3A_11 : memref<1x104xi32, #tpu.memory_space<hbm>> -> memref<104xi32, #tpu.memory_space<hbm>>
      tpu.enqueue_dma source(%dma_start3A_12 : memref<104xi32, #tpu.memory_space<hbm>>) target(%arg5 : memref<104xi32, #tpu.memory_space<vmem>>) target_semaphore(%run_scoped3A : memref<!tpu.dma_semaphore, #tpu.memory_space<semaphore_mem>>)
      %dma_wait3A_13 = arith.constant 0 : i32
      %dma_wait3A_14 = tpu.memref_slice %arg3[%add3A, %dma_wait3A_13] : memref<32x104xi32, #tpu.memory_space<hbm>> -> memref<1x104xi32, #tpu.memory_space<hbm>>
      %dma_wait3A_15 = tpu.memref_squeeze %dma_wait3A_14 : memref<1x104xi32, #tpu.memory_space<hbm>> -> memref<104xi32, #tpu.memory_space<hbm>>
      %dma_wait3A_16 = arith.constant 0 : i32
      %dma_wait3A_17 = tpu.memref_slice %arg3[%add3A, %dma_wait3A_16] : memref<32x104xi32, #tpu.memory_space<hbm>> -> memref<1x104xi32, #tpu.memory_space<hbm>>
      %dma_wait3A_18 = tpu.memref_squeeze %dma_wait3A_17 : memref<1x104xi32, #tpu.memory_space<hbm>> -> memref<104xi32, #tpu.memory_space<hbm>>
      tpu.wait_dma2 semaphore(%run_scoped3A : memref<!tpu.dma_semaphore, #tpu.memory_space<semaphore_mem>>) src(%dma_wait3A_18 : memref<104xi32, #tpu.memory_space<hbm>>) dst(%arg5 : memref<104xi32, #tpu.memory_space<vmem>>)
      tpu.yield
    }) : () -> ()
    %dma_start3A = arith.constant 0 : i32
    %dma_start3A_1 = arith.constant 0 : i32
    %dma_start3A_2 = tpu.memref_slice %arg2[%dma_start3A, %dma_start3A_1] : memref<65536x512xf32, #tpu.memory_space<hbm>> -> memref<65536x512xf32, #tpu.memory_space<hbm>>
    tpu.enqueue_indirect_dma source(%dma_start3A_2 : memref<65536x512xf32, #tpu.memory_space<hbm>>) target(%arg6 : memref<104x512xf32, #tpu.memory_space<vmem>>) offsets(%arg5 : memref<104xi32, #tpu.memory_space<vmem>>) semaphore(%arg7 : memref<!tpu.dma_semaphore, #tpu.memory_space<semaphore_mem>>)
    %dma_wait3A = arith.constant 0 : i32
    %dma_wait3A_3 = arith.constant 0 : i32
    %dma_wait3A_4 = tpu.memref_slice %arg2[%dma_wait3A, %dma_wait3A_3] : memref<65536x512xf32, #tpu.memory_space<hbm>> -> memref<65536x512xf32, #tpu.memory_space<hbm>>
    tpu.wait_indirect_dma semaphore(%arg7 : memref<!tpu.dma_semaphore, #tpu.memory_space<semaphore_mem>>) src(%dma_wait3A_4 : memref<65536x512xf32, #tpu.memory_space<hbm>>) dst(%arg6 : memref<104x512xf32, #tpu.memory_space<vmem>>)
    %mul3A_5 = arith.constant 104 : i32
    %mul3A_6 = arith.muli %add3A, %mul3A_5 : i32
    "tpu.region"() ({
      %run_scoped3A = tpu.sem_alloc : memref<!tpu.dma_semaphore, #tpu.memory_space<semaphore_mem>>
      %dma_start3A_7 = arith.constant 0 : i32
      %dma_start3A_8 = tpu.memref_slice %arg4[%mul3A_6, %dma_start3A_7] : memref<3328x512xf32, #tpu.memory_space<hbm>> -> memref<104x512xf32, #tpu.memory_space<hbm>>
      %dma_start3A_9 = arith.constant 0 : i32
      %dma_start3A_10 = tpu.memref_slice %arg4[%mul3A_6, %dma_start3A_9] : memref<3328x512xf32, #tpu.memory_space<hbm>> -> memref<104x512xf32, #tpu.memory_space<hbm>>
      tpu.enqueue_dma source(%arg6 : memref<104x512xf32, #tpu.memory_space<vmem>>) target(%dma_start3A_10 : memref<104x512xf32, #tpu.memory_space<hbm>>) target_semaphore(%run_scoped3A : memref<!tpu.dma_semaphore, #tpu.memory_space<semaphore_mem>>)
      %dma_wait3A_11 = arith.constant 0 : i32
      %dma_wait3A_12 = tpu.memref_slice %arg4[%mul3A_6, %dma_wait3A_11] : memref<3328x512xf32, #tpu.memory_space<hbm>> -> memref<104x512xf32, #tpu.memory_space<hbm>>
      %dma_wait3A_13 = arith.constant 0 : i32
      %dma_wait3A_14 = tpu.memref_slice %arg4[%mul3A_6, %dma_wait3A_13] : memref<3328x512xf32, #tpu.memory_space<hbm>> -> memref<104x512xf32, #tpu.memory_space<hbm>>
      tpu.wait_dma2 semaphore(%run_scoped3A : memref<!tpu.dma_semaphore, #tpu.memory_space<semaphore_mem>>) src(%arg6 : memref<104x512xf32, #tpu.memory_space<vmem>>) dst(%dma_wait3A_14 : memref<104x512xf32, #tpu.memory_space<hbm>>)
      tpu.yield
    }) : () -> ()
    return
  }
}

module attributes {stable_mosaic.version = 14 : i64} {
  func.func @body(%arg0: memref<32x2048xi32, #tpu.memory_space<vmem>>, %arg1: memref<32x1xi32, #tpu.memory_space<vmem>>, %arg2: memref<32x1xi32, #tpu.memory_space<vmem>>) attributes {dimension_semantics = [], scalar_prefetch = 0 : i64, scratch_operands = 0 : i64, tpu.core_type = #tpu.core_type<tc>} {
    %get3A = arith.constant 0 : index
    %get3A_0 = arith.constant 0 : index
    %get3A_1 = vector.load %arg0[%get3A, %get3A_0] : memref<32x2048xi32, #tpu.memory_space<vmem>>, vector<32x2048xi32>
    %reduce_max3A = arith.constant dense<-2147483648> : vector<32xi32>
    %reduce_max3A_2 = vector.multi_reduction <maxsi>, %get3A_1, %reduce_max3A [1] : vector<32x2048xi32> to vector<32xi32>
    %broadcast_in_dim3A = vector.shape_cast %reduce_max3A_2 : vector<32xi32> to vector<32x1xi32>
    %iota3A = tpu.iota {dimensions = array<i32: 1>} : vector<32x2048xi32>
    %eq3A = vector.broadcast %broadcast_in_dim3A : vector<32x1xi32> to vector<32x2048xi32>
    %eq3A_3 = arith.cmpi eq, %get3A_1, %eq3A : vector<32x2048xi32>
    %jit3A = arith.constant 2048 : i32
    %broadcast_in_dim3A_4 = vector.broadcast %jit3A : i32 to vector<32x2048xi32>
    %select_n3A = arith.select %eq3A_3, %iota3A, %broadcast_in_dim3A_4 : vector<32x2048xi1>, vector<32x2048xi32>
    %reduce_min3A = arith.constant dense<2147483647> : vector<32xi32>
    %reduce_min3A_5 = vector.multi_reduction <minsi>, %select_n3A, %reduce_min3A [1] : vector<32x2048xi32> to vector<32xi32>
    %broadcast_in_dim3A_6 = vector.shape_cast %reduce_min3A_5 : vector<32xi32> to vector<32x1xi32>
    %swap3A = arith.constant 0 : index
    %swap3A_7 = arith.constant 0 : index
    %swap3A_8 = vector.load %arg1[%swap3A, %swap3A_7] : memref<32x1xi32, #tpu.memory_space<vmem>>, vector<32x1xi32>
    tpu.vector_store %arg1[%swap3A, %swap3A_7], %broadcast_in_dim3A_6 {strides = array<i32>} : memref<32x1xi32, #tpu.memory_space<vmem>>, vector<32x1xi32>,
    %ne3A = arith.constant 0 : i32
    %ne3A_9 = vector.broadcast %ne3A : i32 to vector<32x2048xi32>
    %ne3A_10 = arith.cmpi ne, %get3A_1, %ne3A_9 : vector<32x2048xi32>
    %jit3A_11 = arith.constant 1 : i32
    %jit3A_12 = arith.constant 0 : i32
    %broadcast_in_dim3A_13 = vector.broadcast %jit3A_11 : i32 to vector<32x2048xi32>
    %broadcast_in_dim3A_14 = vector.broadcast %jit3A_12 : i32 to vector<32x2048xi32>
    %select_n3A_15 = arith.select %ne3A_10, %broadcast_in_dim3A_13, %broadcast_in_dim3A_14 : vector<32x2048xi1>, vector<32x2048xi32>
    %reduce_sum3A = arith.constant dense<0> : vector<32xi32>
    %reduce_sum3A_16 = vector.multi_reduction <add>, %select_n3A_15, %reduce_sum3A [1] : vector<32x2048xi32> to vector<32xi32>
    %broadcast_in_dim3A_17 = vector.shape_cast %reduce_sum3A_16 : vector<32xi32> to vector<32x1xi32>
    %sub3A = arith.constant 2 : i32
    %sub3A_18 = vector.broadcast %sub3A : i32 to vector<32x1xi32>
    %sub3A_19 = arith.subi %broadcast_in_dim3A_17, %sub3A_18 : vector<32x1xi32>
    %jit3A_20 = arith.constant 1 : i32
    %jit3A_21 = arith.constant 102 : i32
    %max3A = vector.broadcast %jit3A_20 : i32 to vector<32x1xi32>
    %max3A_22 = arith.maxsi %max3A, %sub3A_19 : vector<32x1xi32>
    %min3A = vector.broadcast %jit3A_21 : i32 to vector<32x1xi32>
    %min3A_23 = arith.minsi %min3A, %max3A_22 : vector<32x1xi32>
    %swap3A_24 = arith.constant 0 : index
    %swap3A_25 = arith.constant 0 : index
    %swap3A_26 = vector.load %arg2[%swap3A_24, %swap3A_25] : memref<32x1xi32, #tpu.memory_space<vmem>>, vector<32x1xi32>
    tpu.vector_store %arg2[%swap3A_24, %swap3A_25], %min3A_23 {strides = array<i32>} : memref<32x1xi32, #tpu.memory_space<vmem>>, vector<32x1xi32>,
    return
  }
}

module attributes {stable_mosaic.version = 14 : i64} {
  func.func @body(%arg0: memref<32x1x2048xf32, #tpu.memory_space<vmem>>, %arg1: memref<32x104xf32, #tpu.memory_space<vmem>>, %arg2: memref<32x104xi32, #tpu.memory_space<vmem>>, %arg3: memref<32x2048xf32, #tpu.memory_space<vmem>>) attributes {dimension_semantics = [], scalar_prefetch = 0 : i64, scratch_operands = 1 : i64, tpu.core_type = #tpu.core_type<tc>} {
    %get3A = arith.constant 0 : index
    %get3A_0 = arith.constant 0 : index
    %get3A_1 = arith.constant 0 : index
    %get3A_2 = vector.load %arg0[%get3A, %get3A_0, %get3A_1] : memref<32x1x2048xf32, #tpu.memory_space<vmem>>, vector<32x1x2048xf32>
    %get3A_3 = vector.shape_cast %get3A_2 : vector<32x1x2048xf32> to vector<32x2048xf32>
    %swap3A = arith.constant 0 : index
    %swap3A_4 = arith.constant 0 : index
    %swap3A_5 = vector.load %arg3[%swap3A, %swap3A_4] : memref<32x2048xf32, #tpu.memory_space<vmem>>, vector<32x2048xf32>
    tpu.vector_store %arg3[%swap3A, %swap3A_4], %get3A_3 {strides = array<i32>} : memref<32x2048xf32, #tpu.memory_space<vmem>>, vector<32x2048xf32>,
    %iota3A = tpu.iota {dimensions = array<i32: 1>} : vector<32x2048xi32>
    %iota3A_6 = tpu.iota {dimensions = array<i32: 1>} : vector<32x104xi32>
    %iota3A_7 = tpu.iota {dimensions = array<i32: 0>} : vector<32x104xi32>
    %mul3A = arith.constant 2048 : i32
    %mul3A_8 = vector.broadcast %mul3A : i32 to vector<32x104xi32>
    %mul3A_9 = arith.muli %iota3A_7, %mul3A_8 : vector<32x104xi32>
    %broadcast_in_dim3A = arith.constant 0.000000e+00 : f32
    %broadcast_in_dim3A_10 = vector.broadcast %broadcast_in_dim3A : f32 to vector<32x104xf32>
    %broadcast_in_dim3A_11 = arith.constant 0 : i32
    %broadcast_in_dim3A_12 = vector.broadcast %broadcast_in_dim3A_11 : i32 to vector<32x104xi32>
    %scan3A = arith.constant 0 : i32
    %scan3A_13 = arith.constant 102 : i32
    %scan3A_14 = arith.addi %scan3A, %scan3A_13 : i32
    %scan3A_15 = arith.constant 1 : i32
    %scan3A_16:2 = scf.for %scan3A_24 = %scan3A to %scan3A_14 step %scan3A_15 iter_args(%scan3A_25 = %broadcast_in_dim3A_10, %scan3A_26 = %broadcast_in_dim3A_12) -> (vector<32x104xf32>, vector<32x104xi32>)  : i32 {
      %get3A_27 = arith.constant 0 : index
      %get3A_28 = arith.constant 0 : index
      %get3A_29 = vector.load %arg3[%get3A_27, %get3A_28] : memref<32x2048xf32, #tpu.memory_space<vmem>>, vector<32x2048xf32>
      %reduce_max3A = arith.constant dense<0xFF800000> : vector<32xf32>
      %reduce_max3A_30 = vector.multi_reduction <maximumf>, %get3A_29, %reduce_max3A [1] : vector<32x2048xf32> to vector<32xf32>
      %broadcast_in_dim3A_31 = vector.shape_cast %reduce_max3A_30 : vector<32xf32> to vector<32x1xf32>
      %eq3A = vector.broadcast %broadcast_in_dim3A_31 : vector<32x1xf32> to vector<32x2048xf32>
      %eq3A_32 = arith.cmpf oeq, %get3A_29, %eq3A : vector<32x2048xf32>
      %jit3A = arith.constant 2048 : i32
      %broadcast_in_dim3A_33 = vector.broadcast %jit3A : i32 to vector<32x2048xi32>
      %select_n3A = arith.select %eq3A_32, %iota3A, %broadcast_in_dim3A_33 : vector<32x2048xi1>, vector<32x2048xi32>
      %reduce_min3A = arith.constant dense<2147483647> : vector<32xi32>
      %reduce_min3A_34 = vector.multi_reduction <minsi>, %select_n3A, %reduce_min3A [1] : vector<32x2048xi32> to vector<32xi32>
      %broadcast_in_dim3A_35 = vector.shape_cast %reduce_min3A_34 : vector<32xi32> to vector<32x1xi32>
      %eq3A_36 = vector.broadcast %broadcast_in_dim3A_35 : vector<32x1xi32> to vector<32x2048xi32>
      %eq3A_37 = arith.cmpi eq, %iota3A, %eq3A_36 : vector<32x2048xi32>
      %jit3A_38 = arith.constant -3.400000e+38 : f32
      %broadcast_in_dim3A_39 = vector.broadcast %jit3A_38 : f32 to vector<32x2048xf32>
      %select_n3A_40 = arith.select %eq3A_37, %broadcast_in_dim3A_39, %get3A_29 : vector<32x2048xi1>, vector<32x2048xf32>
      %swap3A_41 = arith.constant 0 : index
      %swap3A_42 = arith.constant 0 : index
      %swap3A_43 = vector.load %arg3[%swap3A_41, %swap3A_42] : memref<32x2048xf32, #tpu.memory_space<vmem>>, vector<32x2048xf32>
      tpu.vector_store %arg3[%swap3A_41, %swap3A_42], %select_n3A_40 {strides = array<i32>} : memref<32x2048xf32, #tpu.memory_space<vmem>>, vector<32x2048xf32>,
      %eq3A_44 = vector.broadcast %scan3A_24 : i32 to vector<32x104xi32>
      %eq3A_45 = arith.cmpi eq, %iota3A_6, %eq3A_44 : vector<32x104xi32>
      %broadcast_in_dim3A_46 = vector.shape_cast %broadcast_in_dim3A_31 : vector<32x1xf32> to vector<32x1xf32>
      %broadcast_in_dim3A_47 = vector.broadcast %broadcast_in_dim3A_46 : vector<32x1xf32> to vector<32x104xf32>
      %select_n3A_48 = arith.select %eq3A_45, %broadcast_in_dim3A_47, %scan3A_25 : vector<32x104xi1>, vector<32x104xf32>
      %eq3A_49 = vector.broadcast %scan3A_24 : i32 to vector<32x104xi32>
      %eq3A_50 = arith.cmpi eq, %iota3A_6, %eq3A_49 : vector<32x104xi32>
      %broadcast_in_dim3A_51 = vector.shape_cast %broadcast_in_dim3A_35 : vector<32x1xi32> to vector<32x1xi32>
      %broadcast_in_dim3A_52 = vector.broadcast %broadcast_in_dim3A_51 : vector<32x1xi32> to vector<32x104xi32>
      %select_n3A_53 = arith.select %eq3A_50, %broadcast_in_dim3A_52, %scan3A_26 : vector<32x104xi1>, vector<32x104xi32>
      scf.yield %select_n3A_48, %select_n3A_53 : vector<32x104xf32>, vector<32x104xi32>
    }
    %scan3A_17 = arith.constant 102 : i32
    %swap3A_18 = arith.constant 0 : index
    %swap3A_19 = arith.constant 0 : index
    %swap3A_20 = vector.load %arg1[%swap3A_18, %swap3A_19] : memref<32x104xf32, #tpu.memory_space<vmem>>, vector<32x104xf32>
    tpu.vector_store %arg1[%swap3A_18, %swap3A_19], %scan3A_16#0 {strides = array<i32>} : memref<32x104xf32, #tpu.memory_space<vmem>>, vector<32x104xf32>,
    %add3A = arith.addi %scan3A_16#1, %mul3A_9 : vector<32x104xi32>
    %swap3A_21 = arith.constant 0 : index
    %swap3A_22 = arith.constant 0 : index
    %swap3A_23 = vector.load %arg2[%swap3A_21, %swap3A_22] : memref<32x104xi32, #tpu.memory_space<vmem>>, vector<32x104xi32>
    tpu.vector_store %arg2[%swap3A_21, %swap3A_22], %add3A {strides = array<i32>} : memref<32x104xi32, #tpu.memory_space<vmem>>, vector<32x104xi32>,
    return
  }
}

module attributes {stable_mosaic.version = 14 : i64} {
  func.func @body(%arg0: i32, %arg1: memref<32x1xi32, #tpu.memory_space<smem>>, %arg2: memref<1x8x2048xf32, #tpu.memory_space<vmem>>, %arg3: memref<1x1x2048xi32, #tpu.memory_space<vmem>>, %arg4: memref<1x1x2048xf32, #tpu.memory_space<vmem>>) attributes {dimension_semantics = [#tpu.dimension_semantics<arbitrary>], iteration_bounds = array<i64: 32>, scalar_prefetch = 1 : i64, scratch_operands = 0 : i64, tpu.core_type = #tpu.core_type<tc>, window_params = [{transform_indices = @transform_0, window_bounds = array<i64: 1, 8, 2048>}, {transform_indices = @transform_1, window_bounds = array<i64: 1, 1, 2048>}, {transform_indices = @transform_2, window_bounds = array<i64: 1, 1, 2048>}]} {
    %get3A = arith.index_cast %arg0 : i32 to index
    %get3A_0 = arith.constant 0 : index
    %get3A_1 = memref.load %arg1[%get3A, %get3A_0] : memref<32x1xi32, #tpu.memory_space<smem>>
    %get3A_2 = arith.constant 0 : index
    %get3A_3 = arith.constant 0 : index
    %get3A_4 = arith.constant 0 : index
    %get3A_5 = vector.load %arg2[%get3A_2, %get3A_3, %get3A_4] : memref<1x8x2048xf32, #tpu.memory_space<vmem>>, vector<1x8x2048xf32>
    %get3A_6 = vector.shape_cast %get3A_5 : vector<1x8x2048xf32> to vector<8x2048xf32>
    %iota3A = tpu.iota {dimensions = array<i32: 0>} : vector<8x2048xi32>
    %jit3A = arith.constant 8 : i32
    %eq3A = arith.constant 0 : i32
    %eq3A_7 = arith.cmpi eq, %jit3A, %eq3A : i32
    %jit3A_8 = arith.constant 1 : i32
    %select_n3A = arith.select %eq3A_7, %jit3A_8, %jit3A : i32
    %rem3A = arith.remsi %get3A_1, %select_n3A : i32
    %ne3A = arith.constant 0 : i32
    %ne3A_9 = arith.cmpi ne, %rem3A, %ne3A : i32
    %lt3A = arith.constant 0 : i32
    %lt3A_10 = arith.cmpi slt, %rem3A, %lt3A : i32
    %lt3A_11 = arith.constant 0 : i32
    %lt3A_12 = arith.cmpi slt, %select_n3A, %lt3A_11 : i32
    %ne3A_13 = arith.xori %lt3A_10, %lt3A_12 : i1
    %and3A = arith.andi %ne3A_13, %ne3A_9 : i1
    %add3A = arith.addi %rem3A, %select_n3A : i32
    %select_n3A_14 = arith.select %and3A, %add3A, %rem3A : i32
    %eq3A_15 = vector.broadcast %select_n3A_14 : i32 to vector<8x2048xi32>
    %eq3A_16 = arith.cmpi eq, %iota3A, %eq3A_15 : vector<8x2048xi32>
    %jit3A_17 = arith.constant 0.000000e+00 : f32
    %broadcast_in_dim3A = vector.broadcast %jit3A_17 : f32 to vector<8x2048xf32>
    %select_n3A_18 = arith.select %eq3A_16, %get3A_6, %broadcast_in_dim3A : vector<8x2048xi1>, vector<8x2048xf32>
    %reduce_sum3A = arith.constant dense<0.000000e+00> : vector<2048xf32>
    %reduce_sum3A_19 = vector.multi_reduction <add>, %select_n3A_18, %reduce_sum3A [0] : vector<8x2048xf32> to vector<2048xf32>
    %broadcast_in_dim3A_20 = vector.shape_cast %reduce_sum3A_19 : vector<2048xf32> to vector<1x2048xf32>
    %get3A_21 = arith.constant 0 : index
    %get3A_22 = arith.constant 0 : index
    %get3A_23 = arith.constant 0 : index
    %get3A_24 = vector.load %arg3[%get3A_21, %get3A_22, %get3A_23] : memref<1x1x2048xi32, #tpu.memory_space<vmem>>, vector<1x1x2048xi32>
    %get3A_25 = vector.shape_cast %get3A_24 : vector<1x1x2048xi32> to vector<1x2048xi32>
    %iota3A_26 = tpu.iota {dimensions = array<i32: 1>} : vector<1x2048xi32>
    %eq3A_27 = vector.broadcast %get3A_1 : i32 to vector<1x2048xi32>
    %eq3A_28 = arith.cmpi eq, %iota3A_26, %eq3A_27 : vector<1x2048xi32>
    %jit3A_29 = arith.constant -1.000000e+00 : f32
    %broadcast_in_dim3A_30 = vector.broadcast %jit3A_29 : f32 to vector<1x2048xf32>
    %select_n3A_31 = arith.select %eq3A_28, %broadcast_in_dim3A_30, %broadcast_in_dim3A_20 : vector<1x2048xi1>, vector<1x2048xf32>
    %eq3A_32 = arith.constant 0 : i32
    %eq3A_33 = vector.broadcast %eq3A_32 : i32 to vector<1x2048xi32>
    %eq3A_34 = arith.cmpi eq, %iota3A_26, %eq3A_33 : vector<1x2048xi32>
    %jit3A_35 = arith.constant -1.000000e+00 : f32
    %broadcast_in_dim3A_36 = vector.broadcast %jit3A_35 : f32 to vector<1x2048xf32>
    %select_n3A_37 = arith.select %eq3A_34, %broadcast_in_dim3A_36, %select_n3A_31 : vector<1x2048xi1>, vector<1x2048xf32>
    %ne3A_38 = arith.constant 0 : i32
    %ne3A_39 = vector.broadcast %ne3A_38 : i32 to vector<1x2048xi32>
    %ne3A_40 = arith.cmpi ne, %get3A_25, %ne3A_39 : vector<1x2048xi32>
    %jit3A_41 = arith.constant -1.000000e+04 : f32
    %broadcast_in_dim3A_42 = vector.broadcast %jit3A_41 : f32 to vector<1x2048xf32>
    %select_n3A_43 = arith.select %ne3A_40, %select_n3A_37, %broadcast_in_dim3A_42 : vector<1x2048xi1>, vector<1x2048xf32>
    %swap3A = arith.constant 0 : index
    %swap3A_44 = arith.constant 0 : index
    %swap3A_45 = arith.constant 0 : index
    %swap3A_46 = vector.load %arg4[%swap3A, %swap3A_44, %swap3A_45] : memref<1x1x2048xf32, #tpu.memory_space<vmem>>, vector<1x1x2048xf32>
    %swap3A_47 = vector.shape_cast %swap3A_46 : vector<1x1x2048xf32> to vector<1x2048xf32>
    %swap3A_48 = vector.shape_cast %select_n3A_43 : vector<1x2048xf32> to vector<1x1x2048xf32>
    tpu.vector_store %arg4[%swap3A, %swap3A_44, %swap3A_45], %swap3A_48 {strides = array<i32>} : memref<1x1x2048xf32, #tpu.memory_space<vmem>>, vector<1x1x2048xf32>,
    return
  }
  func.func @transform_0(%arg0: i32, %arg1: memref<32x1xi32, #tpu.memory_space<smem>>) -> (i32, i32, i32) {
    %get3A = arith.index_cast %arg0 : i32 to index
    %get3A_0 = arith.constant 0 : index
    %get3A_1 = memref.load %arg1[%get3A, %get3A_0] : memref<32x1xi32, #tpu.memory_space<smem>>
    %jit3A = arith.constant 8 : i32
    %div3A = arith.divsi %get3A_1, %jit3A : i32
    %sign3A = arith.constant 0 : i32
    %sign3A_2 = arith.cmpi sgt, %get3A_1, %sign3A : i32
    %sign3A_3 = arith.extui %sign3A_2 : i1 to i32
    %sign3A_4 = arith.constant 0 : i32
    %sign3A_5 = arith.cmpi slt, %get3A_1, %sign3A_4 : i32
    %sign3A_6 = arith.extui %sign3A_5 : i1 to i32
    %sign3A_7 = arith.subi %sign3A_3, %sign3A_6 : i32
    %sign3A_8 = arith.constant 0 : i32
    %sign3A_9 = arith.cmpi sgt, %jit3A, %sign3A_8 : i32
    %sign3A_10 = arith.extui %sign3A_9 : i1 to i32
    %sign3A_11 = arith.constant 0 : i32
    %sign3A_12 = arith.cmpi slt, %jit3A, %sign3A_11 : i32
    %sign3A_13 = arith.extui %sign3A_12 : i1 to i32
    %sign3A_14 = arith.subi %sign3A_10, %sign3A_13 : i32
    %ne3A = arith.cmpi ne, %sign3A_7, %sign3A_14 : i32
    %rem3A = arith.remsi %get3A_1, %jit3A : i32
    %ne3A_15 = arith.constant 0 : i32
    %ne3A_16 = arith.cmpi ne, %rem3A, %ne3A_15 : i32
    %and3A = arith.andi %ne3A, %ne3A_16 : i1
    %sub3A = arith.constant 1 : i32
    %sub3A_17 = arith.subi %div3A, %sub3A : i32
    %select_n3A = arith.select %and3A, %sub3A_17, %div3A : i32
    %c0_i32 = arith.constant 0 : i32
    %c0_i32_18 = arith.constant 0 : i32
    return %arg0, %select_n3A, %c0_i32 : i32, i32, i32
  }
  func.func @transform_1(%arg0: i32, %arg1: memref<32x1xi32, #tpu.memory_space<smem>>) -> (i32, i32, i32) {
    %c0_i32 = arith.constant 0 : i32
    %c0_i32_0 = arith.constant 0 : i32
    %c0_i32_1 = arith.constant 0 : i32
    return %arg0, %c0_i32, %c0_i32_0 : i32, i32, i32
  }
  func.func @transform_2(%arg0: i32, %arg1: memref<32x1xi32, #tpu.memory_space<smem>>) -> (i32, i32, i32) {
    %c0_i32 = arith.constant 0 : i32
    %c0_i32_0 = arith.constant 0 : i32
    %c0_i32_1 = arith.constant 0 : i32
    return %arg0, %c0_i32, %c0_i32_0 : i32, i32, i32
  }
}

module attributes {stable_mosaic.version = 14 : i64} {
  func.func @body(%arg0: i32, %arg1: i32, %arg2: memref<832x512xf32, #tpu.memory_space<vmem>>, %arg3: memref<8x1x104xf32, #tpu.memory_space<vmem>>, %arg4: memref<8x1x1xi32, #tpu.memory_space<vmem>>, %arg5: memref<512x512xf32, #tpu.memory_space<vmem>>, %arg6: memref<1x512xf32, #tpu.memory_space<vmem>>, %arg7: memref<1024x512xf32, #tpu.memory_space<vmem>>, %arg8: memref<1x1024xf32, #tpu.memory_space<vmem>>, %arg9: memref<1024x512xf32, #tpu.memory_space<vmem>>, %arg10: memref<1x1024xf32, #tpu.memory_space<vmem>>, %arg11: memref<1x512xf32, #tpu.memory_space<vmem>>, %arg12: memref<1x512xf32, #tpu.memory_space<vmem>>, %arg13: memref<512x1024xf32, #tpu.memory_space<vmem>>, %arg14: memref<1x512xf32, #tpu.memory_space<vmem>>, %arg15: memref<1x512xf32, #tpu.memory_space<vmem>>, %arg16: memref<1x1xf32, #tpu.memory_space<vmem>>, %arg17: memref<8x1x1024xf32, #tpu.memory_space<vmem>>, %arg18: memref<3328x512xf32, #tpu.memory_space<vmem>>, %arg19: memref<3328x512xf32, #tpu.memory_space<vmem>>, %arg20: memref<2x512xf32, #tpu.memory_space<vmem>>) attributes {dimension_semantics = [#tpu.dimension_semantics<arbitrary>, #tpu.dimension_semantics<arbitrary>], iteration_bounds = array<i64: 2, 4>, scalar_prefetch = 0 : i64, scratch_operands = 3 : i64, tpu.core_type = #tpu.core_type<tc>, window_params = [{transform_indices = @transform_0, window_bounds = array<i64: 832, 512>}, {transform_indices = @transform_1, window_bounds = array<i64: 8, 1, 104>}, {transform_indices = @transform_2, window_bounds = array<i64: 8, 1, 1>}, {pipeline_mode = #tpu.pipeline_mode<synchronous>, transform_indices = @transform_3, window_bounds = array<i64: 512, 512>}, {pipeline_mode = #tpu.pipeline_mode<synchronous>, transform_indices = @transform_4, window_bounds = array<i64: 1, 512>}, {pipeline_mode = #tpu.pipeline_mode<synchronous>, transform_indices = @transform_5, window_bounds = array<i64: 1024, 512>}, {pipeline_mode = #tpu.pipeline_mode<synchronous>, transform_indices = @transform_6, window_bounds = array<i64: 1, 1024>}, {pipeline_mode = #tpu.pipeline_mode<synchronous>, transform_indices = @transform_7, window_bounds = array<i64: 1024, 512>}, {pipeline_mode = #tpu.pipeline_mode<synchronous>, transform_indices = @transform_8, window_bounds = array<i64: 1, 1024>}, {pipeline_mode = #tpu.pipeline_mode<synchronous>, transform_indices = @transform_9, window_bounds = array<i64: 1, 512>}, {pipeline_mode = #tpu.pipeline_mode<synchronous>, transform_indices = @transform_10, window_bounds = array<i64: 1, 512>}, {pipeline_mode = #tpu.pipeline_mode<synchronous>, transform_indices = @transform_11, window_bounds = array<i64: 512, 1024>}, {pipeline_mode = #tpu.pipeline_mode<synchronous>, transform_indices = @transform_12, window_bounds = array<i64: 1, 512>}, {pipeline_mode = #tpu.pipeline_mode<synchronous>, transform_indices = @transform_13, window_bounds = array<i64: 1, 512>}, {pipeline_mode = #tpu.pipeline_mode<synchronous>, transform_indices = @transform_14, window_bounds = array<i64: 1, 1>}, {transform_indices = @transform_15, window_bounds = array<i64: 8, 1, 1024>}]} {
    %eq3A = arith.constant 0 : i32
    %eq3A_0 = arith.cmpi eq, %arg0, %eq3A : i32
    %convert_element_type3A = arith.extui %eq3A_0 : i1 to i32
    %cond3A = arith.constant 0 : i32
    %cond3A_1 = arith.cmpi ne, %convert_element_type3A, %cond3A : i32
    scf.if %cond3A_1 {
      %get3A = arith.constant 0 : index
      %get3A_7 = arith.constant 0 : index
      %get3A_8 = vector.load %arg2[%get3A, %get3A_7] : memref<832x512xf32, #tpu.memory_space<vmem>>, vector<832x512xf32>
      %mul3A = arith.mulf %get3A_8, %get3A_8 : vector<832x512xf32>
      %reduce_sum3A = arith.constant dense<0.000000e+00> : vector<832xf32>
      %reduce_sum3A_9 = vector.multi_reduction <add>, %mul3A, %reduce_sum3A [1] : vector<832x512xf32> to vector<832xf32>
      %broadcast_in_dim3A = vector.shape_cast %reduce_sum3A_9 : vector<832xf32> to vector<832x1xf32>
      %sqrt3A = math.sqrt %broadcast_in_dim3A : vector<832x1xf32>
      %add3A = arith.constant 9.99999993E-9 : f32
      %add3A_10 = vector.broadcast %add3A : f32 to vector<832x1xf32>
      %add3A_11 = arith.addf %sqrt3A, %add3A_10 : vector<832x1xf32>
      %div3A = vector.broadcast %add3A_11 : vector<832x1xf32> to vector<832x512xf32>
      %div3A_12 = arith.divf %get3A_8, %div3A : vector<832x512xf32>
      %mul3A_13 = arith.constant 832 : i32
      %mul3A_14 = arith.muli %arg1, %mul3A_13 : i32
      %swap3A = arith.index_cast %mul3A_14 : i32 to index
      %swap3A_15 = arith.constant 0 : index
      %swap3A_16 = vector.load %arg18[%swap3A, %swap3A_15] : memref<3328x512xf32, #tpu.memory_space<vmem>>, vector<832x512xf32>
      tpu.vector_store %arg18[%swap3A, %swap3A_15], %div3A_12 {strides = array<i32>} : memref<3328x512xf32, #tpu.memory_space<vmem>>, vector<832x512xf32>,
      %get3A_17 = arith.constant 0 : index
      %get3A_18 = arith.constant 0 : index
      %get3A_19 = vector.load %arg5[%get3A_17, %get3A_18] : memref<512x512xf32, #tpu.memory_space<vmem>>, vector<512x512xf32>
      %dot_general3A = arith.constant dense<0.000000e+00> : vector<832x512xf32>
      %dot_general3A_20 = tpu.matmul %div3A_12, %get3A_19, %dot_general3A {dimension_numbers = #tpu.dot_dimension_numbers<[1], [1], [0], [0], [0, 0, 1, 0], [], []>, transpose_lhs_hint = false} : vector<832x512xf32>, vector<512x512xf32>, vector<832x512xf32> -> vector<832x512xf32>
      %get3A_21 = arith.constant 0 : index
      %get3A_22 = arith.constant 0 : index
      %get3A_23 = vector.load %arg6[%get3A_21, %get3A_22] : memref<1x512xf32, #tpu.memory_space<vmem>>, vector<1x512xf32>
      %add3A_24 = vector.broadcast %get3A_23 : vector<1x512xf32> to vector<832x512xf32>
      %add3A_25 = arith.addf %dot_general3A_20, %add3A_24 : vector<832x512xf32>
      %mul3A_26 = arith.constant 832 : i32
      %mul3A_27 = arith.muli %arg1, %mul3A_26 : i32
      %swap3A_28 = arith.index_cast %mul3A_27 : i32 to index
      %swap3A_29 = arith.constant 0 : index
      %swap3A_30 = vector.load %arg19[%swap3A_28, %swap3A_29] : memref<3328x512xf32, #tpu.memory_space<vmem>>, vector<832x512xf32>
      tpu.vector_store %arg19[%swap3A_28, %swap3A_29], %add3A_25 {strides = array<i32>} : memref<3328x512xf32, #tpu.memory_space<vmem>>, vector<832x512xf32>,
      %iota3A = tpu.iota {dimensions = array<i32: 0>} : vector<832x1xi32>
      %jit3A = arith.constant 104 : i32
      %eq3A_31 = arith.constant 0 : i32
      %eq3A_32 = arith.cmpi eq, %jit3A, %eq3A_31 : i32
      %jit3A_33 = arith.constant 1 : i32
      %select_n3A = arith.select %eq3A_32, %jit3A_33, %jit3A : i32
      %rem3A = vector.broadcast %select_n3A : i32 to vector<832x1xi32>
      %rem3A_34 = arith.remsi %iota3A, %rem3A : vector<832x1xi32>
      %ne3A = arith.constant 0 : i32
      %ne3A_35 = vector.broadcast %ne3A : i32 to vector<832x1xi32>
      %ne3A_36 = arith.cmpi ne, %rem3A_34, %ne3A_35 : vector<832x1xi32>
      %lt3A = arith.constant 0 : i32
      %lt3A_37 = vector.broadcast %lt3A : i32 to vector<832x1xi32>
      %lt3A_38 = arith.cmpi slt, %rem3A_34, %lt3A_37 : vector<832x1xi32>
      %lt3A_39 = arith.constant 0 : i32
      %lt3A_40 = arith.cmpi slt, %select_n3A, %lt3A_39 : i32
      %ne3A_41 = vector.broadcast %lt3A_40 : i1 to vector<832x1xi1>
      %ne3A_42 = vector.broadcast %ne3A_41 : vector<832x1xi1> to vector<832x1xi1>
      %ne3A_43 = arith.xori %lt3A_38, %ne3A_42 : vector<832x1xi1>
      %and3A = arith.andi %ne3A_43, %ne3A_36 : vector<832x1xi1>
      %add3A_44 = vector.broadcast %select_n3A : i32 to vector<832x1xi32>
      %add3A_45 = arith.addi %rem3A_34, %add3A_44 : vector<832x1xi32>
      %select_n3A_46 = arith.select %and3A, %add3A_45, %rem3A_34 : vector<832x1xi1>, vector<832x1xi32>
      %lt3A_47 = arith.constant 102 : i32
      %lt3A_48 = vector.broadcast %lt3A_47 : i32 to vector<832x1xi32>
      %lt3A_49 = arith.cmpi slt, %select_n3A_46, %lt3A_48 : vector<832x1xi32>
      %convert_element_type3A_50 = arith.extui %lt3A_49 : vector<832x1xi1> to vector<832x1xi32>
      %convert_element_type3A_51 = arith.sitofp %convert_element_type3A_50 : vector<832x1xi32> to vector<832x1xf32>
      %mul3A_52 = vector.broadcast %convert_element_type3A_51 : vector<832x1xf32> to vector<832x512xf32>
      %mul3A_53 = arith.mulf %add3A_25, %mul3A_52 : vector<832x512xf32>
      %reduce_sum3A_54 = arith.constant dense<0.000000e+00> : vector<512xf32>
      %reduce_sum3A_55 = vector.multi_reduction <add>, %mul3A_53, %reduce_sum3A_54 [0] : vector<832x512xf32> to vector<512xf32>
      %broadcast_in_dim3A_56 = vector.shape_cast %reduce_sum3A_55 : vector<512xf32> to vector<1x512xf32>
      %mul3A_57 = arith.mulf %add3A_25, %add3A_25 : vector<832x512xf32>
      %mul3A_58 = vector.broadcast %convert_element_type3A_51 : vector<832x1xf32> to vector<832x512xf32>
      %mul3A_59 = arith.mulf %mul3A_57, %mul3A_58 : vector<832x512xf32>
      %reduce_sum3A_60 = arith.constant dense<0.000000e+00> : vector<512xf32>
      %reduce_sum3A_61 = vector.multi_reduction <add>, %mul3A_59, %reduce_sum3A_60 [0] : vector<832x512xf32> to vector<512xf32>
      %broadcast_in_dim3A_62 = vector.shape_cast %reduce_sum3A_61 : vector<512xf32> to vector<1x512xf32>
      %concatenate3A = tpu.concatenate %broadcast_in_dim3A_56, %broadcast_in_dim3A_62 in 0 : vector<1x512xf32>, vector<1x512xf32> -> vector<2x512xf32>
      %get3A_63 = arith.constant 0 : index
      %get3A_64 = arith.constant 0 : index
      %get3A_65 = vector.load %arg20[%get3A_63, %get3A_64] : memref<2x512xf32, #tpu.memory_space<vmem>>, vector<2x512xf32>
      %eq3A_66 = arith.constant 0 : i32
      %eq3A_67 = arith.cmpi eq, %arg1, %eq3A_66 : i32
      %add3A_68 = arith.addf %get3A_65, %concatenate3A : vector<2x512xf32>
      %select_n3A_69 = arith.select %eq3A_67, %concatenate3A, %add3A_68 : vector<2x512xf32>
      %swap3A_70 = arith.constant 0 : index
      %swap3A_71 = arith.constant 0 : index
      %swap3A_72 = vector.load %arg20[%swap3A_70, %swap3A_71] : memref<2x512xf32, #tpu.memory_space<vmem>>, vector<2x512xf32>
      tpu.vector_store %arg20[%swap3A_70, %swap3A_71], %select_n3A_69 {strides = array<i32>} : memref<2x512xf32, #tpu.memory_space<vmem>>, vector<2x512xf32>,
    } else {
    }
    %eq3A_2 = arith.constant 1 : i32
    %eq3A_3 = arith.cmpi eq, %arg0, %eq3A_2 : i32
    %convert_element_type3A_4 = arith.extui %eq3A_3 : i1 to i32
    %cond3A_5 = arith.constant 0 : i32
    %cond3A_6 = arith.cmpi ne, %convert_element_type3A_4, %cond3A_5 : i32
    scf.if %cond3A_6 {
      %get3A = arith.constant 0 : index
      %get3A_7 = arith.constant 0 : index
      %get3A_8 = vector.load %arg20[%get3A, %get3A_7] : memref<2x512xf32, #tpu.memory_space<vmem>>, vector<1x512xf32>
      %div3A = arith.constant 3.264000e+03 : f32
      %div3A_9 = vector.broadcast %div3A : f32 to vector<1x512xf32>
      %div3A_10 = arith.divf %get3A_8, %div3A_9 : vector<1x512xf32>
      %get3A_11 = arith.constant 1 : index
      %get3A_12 = arith.constant 0 : index
      %get3A_13 = vector.load %arg20[%get3A_11, %get3A_12] : memref<2x512xf32, #tpu.memory_space<vmem>>, vector<1x512xf32>
      %div3A_14 = arith.constant 3.264000e+03 : f32
      %div3A_15 = vector.broadcast %div3A_14 : f32 to vector<1x512xf32>
      %div3A_16 = arith.divf %get3A_13, %div3A_15 : vector<1x512xf32>
      %mul3A = arith.mulf %div3A_10, %div3A_10 : vector<1x512xf32>
      %sub3A = arith.subf %div3A_16, %mul3A : vector<1x512xf32>
      %add3A = arith.constant 9.99999974E-6 : f32
      %add3A_17 = vector.broadcast %add3A : f32 to vector<1x512xf32>
      %add3A_18 = arith.addf %sub3A, %add3A_17 : vector<1x512xf32>
      %rsqrt3A = math.rsqrt %add3A_18 : vector<1x512xf32>
      %mul3A_19 = arith.constant 832 : i32
      %mul3A_20 = arith.muli %arg1, %mul3A_19 : i32
      %mul3A_21 = arith.constant 832 : i32
      %mul3A_22 = arith.muli %arg1, %mul3A_21 : i32
      %get3A_23 = arith.index_cast %mul3A_20 : i32 to index
      %get3A_24 = arith.constant 0 : index
      %get3A_25 = vector.load %arg19[%get3A_23, %get3A_24] : memref<3328x512xf32, #tpu.memory_space<vmem>>, vector<832x512xf32>
      %sub3A_26 = vector.broadcast %div3A_10 : vector<1x512xf32> to vector<832x512xf32>
      %sub3A_27 = arith.subf %get3A_25, %sub3A_26 : vector<832x512xf32>
      %mul3A_28 = vector.broadcast %rsqrt3A : vector<1x512xf32> to vector<832x512xf32>
      %mul3A_29 = arith.mulf %sub3A_27, %mul3A_28 : vector<832x512xf32>
      %get3A_30 = arith.constant 0 : index
      %get3A_31 = arith.constant 0 : index
      %get3A_32 = vector.load %arg11[%get3A_30, %get3A_31] : memref<1x512xf32, #tpu.memory_space<vmem>>, vector<1x512xf32>
      %mul3A_33 = vector.broadcast %get3A_32 : vector<1x512xf32> to vector<832x512xf32>
      %mul3A_34 = arith.mulf %mul3A_29, %mul3A_33 : vector<832x512xf32>
      %get3A_35 = arith.constant 0 : index
      %get3A_36 = arith.constant 0 : index
      %get3A_37 = vector.load %arg12[%get3A_35, %get3A_36] : memref<1x512xf32, #tpu.memory_space<vmem>>, vector<1x512xf32>
      %add3A_38 = vector.broadcast %get3A_37 : vector<1x512xf32> to vector<832x512xf32>
      %add3A_39 = arith.addf %mul3A_34, %add3A_38 : vector<832x512xf32>
      %max3A = arith.constant 0.000000e+00 : f32
      %max3A_40 = vector.broadcast %max3A : f32 to vector<832x512xf32>
      %max3A_41 = arith.maximumf %add3A_39, %max3A_40 : vector<832x512xf32>
      %get3A_42 = arith.constant 0 : index
      %get3A_43 = arith.constant 0 : index
      %get3A_44 = vector.load %arg9[%get3A_42, %get3A_43] : memref<1024x512xf32, #tpu.memory_space<vmem>>, vector<1024x512xf32>
      %dot_general3A = arith.constant dense<0.000000e+00> : vector<832x1024xf32>
      %dot_general3A_45 = tpu.matmul %max3A_41, %get3A_44, %dot_general3A {dimension_numbers = #tpu.dot_dimension_numbers<[1], [1], [0], [0], [0, 0, 1, 0], [], []>, transpose_lhs_hint = false} : vector<832x512xf32>, vector<1024x512xf32>, vector<832x1024xf32> -> vector<832x1024xf32>
      %get3A_46 = arith.constant 0 : index
      %get3A_47 = arith.constant 0 : index
      %get3A_48 = vector.load %arg10[%get3A_46, %get3A_47] : memref<1x1024xf32, #tpu.memory_space<vmem>>, vector<1x1024xf32>
      %add3A_49 = vector.broadcast %get3A_48 : vector<1x1024xf32> to vector<832x1024xf32>
      %add3A_50 = arith.addf %dot_general3A_45, %add3A_49 : vector<832x1024xf32>
      %get3A_51 = arith.index_cast %mul3A_22 : i32 to index
      %get3A_52 = arith.constant 0 : index
      %get3A_53 = vector.load %arg18[%get3A_51, %get3A_52] : memref<3328x512xf32, #tpu.memory_space<vmem>>, vector<832x512xf32>
      %get3A_54 = arith.constant 0 : index
      %get3A_55 = arith.constant 0 : index
      %get3A_56 = vector.load %arg7[%get3A_54, %get3A_55] : memref<1024x512xf32, #tpu.memory_space<vmem>>, vector<1024x512xf32>
      %dot_general3A_57 = arith.constant dense<0.000000e+00> : vector<832x1024xf32>
      %dot_general3A_58 = tpu.matmul %get3A_53, %get3A_56, %dot_general3A_57 {dimension_numbers = #tpu.dot_dimension_numbers<[1], [1], [0], [0], [0, 0, 1, 0], [], []>, transpose_lhs_hint = false} : vector<832x512xf32>, vector<1024x512xf32>, vector<832x1024xf32> -> vector<832x1024xf32>
      %get3A_59 = arith.constant 0 : index
      %get3A_60 = arith.constant 0 : index
      %get3A_61 = vector.load %arg8[%get3A_59, %get3A_60] : memref<1x1024xf32, #tpu.memory_space<vmem>>, vector<1x1024xf32>
      %add3A_62 = vector.broadcast %get3A_61 : vector<1x1024xf32> to vector<832x1024xf32>
      %add3A_63 = arith.addf %dot_general3A_58, %add3A_62 : vector<832x1024xf32>
      %add3A_64 = arith.addf %add3A_50, %add3A_63 : vector<832x1024xf32>
      %get3A_65 = arith.constant 0 : index
      %get3A_66 = arith.constant 0 : index
      %get3A_67 = vector.load %arg13[%get3A_65, %get3A_66] : memref<512x1024xf32, #tpu.memory_space<vmem>>, vector<512x1024xf32>
      %dot_general3A_68 = arith.constant dense<0.000000e+00> : vector<832x512xf32>
      %dot_general3A_69 = tpu.matmul %add3A_64, %get3A_67, %dot_general3A_68 {dimension_numbers = #tpu.dot_dimension_numbers<[1], [1], [0], [0], [0, 0, 1, 0], [], []>, transpose_lhs_hint = false} : vector<832x1024xf32>, vector<512x1024xf32>, vector<832x512xf32> -> vector<832x512xf32>
      %get3A_70 = arith.constant 0 : index
      %get3A_71 = arith.constant 0 : index
      %get3A_72 = vector.load %arg14[%get3A_70, %get3A_71] : memref<1x512xf32, #tpu.memory_space<vmem>>, vector<1x512xf32>
      %add3A_73 = vector.broadcast %get3A_72 : vector<1x512xf32> to vector<832x512xf32>
      %add3A_74 = arith.addf %dot_general3A_69, %add3A_73 : vector<832x512xf32>
      %max3A_75 = arith.constant 0.000000e+00 : f32
      %max3A_76 = vector.broadcast %max3A_75 : f32 to vector<832x512xf32>
      %max3A_77 = arith.maximumf %add3A_74, %max3A_76 : vector<832x512xf32>
      %slice3A = vector.extract_strided_slice %add3A_64 {offsets = [0, 0], sizes = [104, 1024], strides = [1, 1]} : vector<832x1024xf32> to vector<104x1024xf32>
      %slice3A_78 = vector.extract_strided_slice %max3A_77 {offsets = [0, 0], sizes = [104, 512], strides = [1, 1]} : vector<832x512xf32> to vector<104x512xf32>
      %get3A_79 = arith.constant 0 : index
      %get3A_80 = arith.constant 0 : index
      %get3A_81 = vector.load %arg15[%get3A_79, %get3A_80] : memref<1x512xf32, #tpu.memory_space<vmem>>, vector<1x512xf32>
      %dot_general3A_82 = arith.constant dense<0.000000e+00> : vector<1x104xf32>
      %dot_general3A_83 = tpu.matmul %get3A_81, %slice3A_78, %dot_general3A_82 {dimension_numbers = #tpu.dot_dimension_numbers<[1], [1], [0], [0], [0, 0, 1, 0], [], []>, transpose_lhs_hint = false} : vector<1x512xf32>, vector<104x512xf32>, vector<1x104xf32> -> vector<1x104xf32>
      %get3A_84 = arith.constant 0 : index
      %get3A_85 = arith.constant 0 : index
      %get3A_86 = vector.load %arg16[%get3A_84, %get3A_85] : memref<1x1xf32, #tpu.memory_space<vmem>>, vector<1x1xf32>
      %add3A_87 = vector.broadcast %get3A_86 : vector<1x1xf32> to vector<1x104xf32>
      %add3A_88 = arith.addf %dot_general3A_83, %add3A_87 : vector<1x104xf32>
      %get3A_89 = arith.constant 0 : index
      %get3A_90 = arith.constant 0 : index
      %get3A_91 = arith.constant 0 : index
      %get3A_92 = vector.load %arg3[%get3A_89, %get3A_90, %get3A_91] : memref<8x1x104xf32, #tpu.memory_space<vmem>>, vector<1x1x104xf32>
      %get3A_93 = vector.shape_cast %get3A_92 : vector<1x1x104xf32> to vector<1x104xf32>
      %mul3A_94 = arith.constant 1.000000e-01 : f32
      %mul3A_95 = vector.broadcast %mul3A_94 : f32 to vector<1x104xf32>
      %mul3A_96 = arith.mulf %mul3A_95, %get3A_93 : vector<1x104xf32>
      %add3A_97 = arith.addf %add3A_88, %mul3A_96 : vector<1x104xf32>
      %get3A_98 = arith.constant 0 : index
      %get3A_99 = arith.constant 0 : index
      %get3A_100 = arith.constant 0 : index
      %get3A_101 = vector.load %arg4[%get3A_98, %get3A_99, %get3A_100] : memref<8x1x1xi32, #tpu.memory_space<vmem>>, vector<1x1x1xi32>
      %get3A_102 = vector.extract %get3A_101[0, 0, 0] : i32 from vector<1x1x1xi32>
      %iota3A = tpu.iota {dimensions = array<i32: 1>} : vector<1x104xi32>
      %lt3A = vector.broadcast %get3A_102 : i32 to vector<1x104xi32>
      %lt3A_103 = arith.cmpi slt, %iota3A, %lt3A : vector<1x104xi32>
      %jit3A = arith.constant -1.000000e+04 : f32
      %broadcast_in_dim3A = vector.broadcast %jit3A : f32 to vector<1x104xf32>
      %select_n3A = arith.select %lt3A_103, %add3A_97, %broadcast_in_dim3A : vector<1x104xi1>, vector<1x104xf32>
      %reduce_max3A = arith.constant dense<0xFF800000> : vector<1xf32>
      %reduce_max3A_104 = vector.multi_reduction <maximumf>, %select_n3A, %reduce_max3A [1] : vector<1x104xf32> to vector<1xf32>
      %broadcast_in_dim3A_105 = vector.shape_cast %reduce_max3A_104 : vector<1xf32> to vector<1x1xf32>
      %sub3A_106 = vector.broadcast %broadcast_in_dim3A_105 : vector<1x1xf32> to vector<1x104xf32>
      %sub3A_107 = arith.subf %select_n3A, %sub3A_106 : vector<1x104xf32>
      %exp3A = math.exp %sub3A_107 : vector<1x104xf32>
      %reduce_sum3A = arith.constant dense<0.000000e+00> : vector<1xf32>
      %reduce_sum3A_108 = vector.multi_reduction <add>, %exp3A, %reduce_sum3A [1] : vector<1x104xf32> to vector<1xf32>
      %broadcast_in_dim3A_109 = vector.shape_cast %reduce_sum3A_108 : vector<1xf32> to vector<1x1xf32>
      %div3A_110 = vector.broadcast %broadcast_in_dim3A_109 : vector<1x1xf32> to vector<1x104xf32>
      %div3A_111 = arith.divf %exp3A, %div3A_110 : vector<1x104xf32>
      %dot_general3A_112 = arith.constant dense<0.000000e+00> : vector<1x1024xf32>
      %dot_general3A_113 = tpu.matmul %div3A_111, %slice3A, %dot_general3A_112 {dimension_numbers = #tpu.dot_dimension_numbers<[1], [0], [0], [1], [0, 0, 1, 1], [], []>, transpose_lhs_hint = false} : vector<1x104xf32>, vector<104x1024xf32>, vector<1x1024xf32> -> vector<1x1024xf32>
      %iota3A_114 = tpu.iota {dimensions = array<i32: 0>} : vector<104x1xi32>
      %lt3A_115 = vector.broadcast %get3A_102 : i32 to vector<104x1xi32>
      %lt3A_116 = arith.cmpi slt, %iota3A_114, %lt3A_115 : vector<104x1xi32>
      %jit3A_117 = arith.constant -3.400000e+38 : f32
      %broadcast_in_dim3A_118 = vector.shape_cast %lt3A_116 : vector<104x1xi1> to vector<104x1xi1>
      %broadcast_in_dim3A_119 = vector.broadcast %broadcast_in_dim3A_118 : vector<104x1xi1> to vector<104x1024xi1>
      %broadcast_in_dim3A_120 = vector.broadcast %jit3A_117 : f32 to vector<104x1024xf32>
      %select_n3A_121 = arith.select %broadcast_in_dim3A_119, %slice3A, %broadcast_in_dim3A_120 : vector<104x1024xi1>, vector<104x1024xf32>
      %reduce_max3A_122 = arith.constant dense<0xFF800000> : vector<1024xf32>
      %reduce_max3A_123 = vector.multi_reduction <maximumf>, %select_n3A_121, %reduce_max3A_122 [0] : vector<104x1024xf32> to vector<1024xf32>
      %broadcast_in_dim3A_124 = vector.shape_cast %reduce_max3A_123 : vector<1024xf32> to vector<1x1024xf32>
      %mul3A_125 = arith.constant 0.899999976 : f32
      %mul3A_126 = vector.broadcast %mul3A_125 : f32 to vector<1x1024xf32>
      %mul3A_127 = arith.mulf %mul3A_126, %broadcast_in_dim3A_124 : vector<1x1024xf32>
      %mul3A_128 = arith.constant 1.000000e-01 : f32
      %mul3A_129 = vector.broadcast %mul3A_128 : f32 to vector<1x1024xf32>
      %mul3A_130 = arith.mulf %mul3A_129, %dot_general3A_113 : vector<1x1024xf32>
      %add3A_131 = arith.addf %mul3A_127, %mul3A_130 : vector<1x1024xf32>
      %swap3A = arith.constant 0 : index
      %swap3A_132 = arith.constant 0 : index
      %swap3A_133 = arith.constant 0 : index
      %swap3A_134 = vector.load %arg17[%swap3A, %swap3A_132, %swap3A_133] : memref<8x1x1024xf32, #tpu.memory_space<vmem>>, vector<1x1x1024xf32>
      %swap3A_135 = vector.shape_cast %swap3A_134 : vector<1x1x1024xf32> to vector<1x1024xf32>
      %swap3A_136 = vector.shape_cast %add3A_131 : vector<1x1024xf32> to vector<1x1x1024xf32>
      tpu.vector_store %arg17[%swap3A, %swap3A_132, %swap3A_133], %swap3A_136 {strides = array<i32>} : memref<8x1x1024xf32, #tpu.memory_space<vmem>>, vector<1x1x1024xf32>,
      %slice3A_137 = vector.extract_strided_slice %add3A_64 {offsets = [104, 0], sizes = [104, 1024], strides = [1, 1]} : vector<832x1024xf32> to vector<104x1024xf32>
      %slice3A_138 = vector.extract_strided_slice %max3A_77 {offsets = [104, 0], sizes = [104, 512], strides = [1, 1]} : vector<832x512xf32> to vector<104x512xf32>
      %get3A_139 = arith.constant 0 : index
      %get3A_140 = arith.constant 0 : index
      %get3A_141 = vector.load %arg15[%get3A_139, %get3A_140] : memref<1x512xf32, #tpu.memory_space<vmem>>, vector<1x512xf32>
      %dot_general3A_142 = arith.constant dense<0.000000e+00> : vector<1x104xf32>
      %dot_general3A_143 = tpu.matmul %get3A_141, %slice3A_138, %dot_general3A_142 {dimension_numbers = #tpu.dot_dimension_numbers<[1], [1], [0], [0], [0, 0, 1, 0], [], []>, transpose_lhs_hint = false} : vector<1x512xf32>, vector<104x512xf32>, vector<1x104xf32> -> vector<1x104xf32>
      %get3A_144 = arith.constant 0 : index
      %get3A_145 = arith.constant 0 : index
      %get3A_146 = vector.load %arg16[%get3A_144, %get3A_145] : memref<1x1xf32, #tpu.memory_space<vmem>>, vector<1x1xf32>
      %add3A_147 = vector.broadcast %get3A_146 : vector<1x1xf32> to vector<1x104xf32>
      %add3A_148 = arith.addf %dot_general3A_143, %add3A_147 : vector<1x104xf32>
      %get3A_149 = arith.constant 1 : index
      %get3A_150 = arith.constant 0 : index
      %get3A_151 = arith.constant 0 : index
      %get3A_152 = vector.load %arg3[%get3A_149, %get3A_150, %get3A_151] : memref<8x1x104xf32, #tpu.memory_space<vmem>>, vector<1x1x104xf32>
      %get3A_153 = vector.shape_cast %get3A_152 : vector<1x1x104xf32> to vector<1x104xf32>
      %mul3A_154 = arith.constant 1.000000e-01 : f32
      %mul3A_155 = vector.broadcast %mul3A_154 : f32 to vector<1x104xf32>
      %mul3A_156 = arith.mulf %mul3A_155, %get3A_153 : vector<1x104xf32>
      %add3A_157 = arith.addf %add3A_148, %mul3A_156 : vector<1x104xf32>
      %get3A_158 = arith.constant 1 : index
      %get3A_159 = arith.constant 0 : index
      %get3A_160 = arith.constant 0 : index
      %get3A_161 = vector.load %arg4[%get3A_158, %get3A_159, %get3A_160] : memref<8x1x1xi32, #tpu.memory_space<vmem>>, vector<1x1x1xi32>
      %get3A_162 = vector.extract %get3A_161[0, 0, 0] : i32 from vector<1x1x1xi32>
      %iota3A_163 = tpu.iota {dimensions = array<i32: 1>} : vector<1x104xi32>
      %lt3A_164 = vector.broadcast %get3A_162 : i32 to vector<1x104xi32>
      %lt3A_165 = arith.cmpi slt, %iota3A_163, %lt3A_164 : vector<1x104xi32>
      %jit3A_166 = arith.constant -1.000000e+04 : f32
      %broadcast_in_dim3A_167 = vector.broadcast %jit3A_166 : f32 to vector<1x104xf32>
      %select_n3A_168 = arith.select %lt3A_165, %add3A_157, %broadcast_in_dim3A_167 : vector<1x104xi1>, vector<1x104xf32>
      %reduce_max3A_169 = arith.constant dense<0xFF800000> : vector<1xf32>
      %reduce_max3A_170 = vector.multi_reduction <maximumf>, %select_n3A_168, %reduce_max3A_169 [1] : vector<1x104xf32> to vector<1xf32>
      %broadcast_in_dim3A_171 = vector.shape_cast %reduce_max3A_170 : vector<1xf32> to vector<1x1xf32>
      %sub3A_172 = vector.broadcast %broadcast_in_dim3A_171 : vector<1x1xf32> to vector<1x104xf32>
      %sub3A_173 = arith.subf %select_n3A_168, %sub3A_172 : vector<1x104xf32>
      %exp3A_174 = math.exp %sub3A_173 : vector<1x104xf32>
      %reduce_sum3A_175 = arith.constant dense<0.000000e+00> : vector<1xf32>
      %reduce_sum3A_176 = vector.multi_reduction <add>, %exp3A_174, %reduce_sum3A_175 [1] : vector<1x104xf32> to vector<1xf32>
      %broadcast_in_dim3A_177 = vector.shape_cast %reduce_sum3A_176 : vector<1xf32> to vector<1x1xf32>
      %div3A_178 = vector.broadcast %broadcast_in_dim3A_177 : vector<1x1xf32> to vector<1x104xf32>
      %div3A_179 = arith.divf %exp3A_174, %div3A_178 : vector<1x104xf32>
      %dot_general3A_180 = arith.constant dense<0.000000e+00> : vector<1x1024xf32>
      %dot_general3A_181 = tpu.matmul %div3A_179, %slice3A_137, %dot_general3A_180 {dimension_numbers = #tpu.dot_dimension_numbers<[1], [0], [0], [1], [0, 0, 1, 1], [], []>, transpose_lhs_hint = false} : vector<1x104xf32>, vector<104x1024xf32>, vector<1x1024xf32> -> vector<1x1024xf32>
      %iota3A_182 = tpu.iota {dimensions = array<i32: 0>} : vector<104x1xi32>
      %lt3A_183 = vector.broadcast %get3A_162 : i32 to vector<104x1xi32>
      %lt3A_184 = arith.cmpi slt, %iota3A_182, %lt3A_183 : vector<104x1xi32>
      %jit3A_185 = arith.constant -3.400000e+38 : f32
      %broadcast_in_dim3A_186 = vector.shape_cast %lt3A_184 : vector<104x1xi1> to vector<104x1xi1>
      %broadcast_in_dim3A_187 = vector.broadcast %broadcast_in_dim3A_186 : vector<104x1xi1> to vector<104x1024xi1>
      %broadcast_in_dim3A_188 = vector.broadcast %jit3A_185 : f32 to vector<104x1024xf32>
      %select_n3A_189 = arith.select %broadcast_in_dim3A_187, %slice3A_137, %broadcast_in_dim3A_188 : vector<104x1024xi1>, vector<104x1024xf32>
      %reduce_max3A_190 = arith.constant dense<0xFF800000> : vector<1024xf32>
      %reduce_max3A_191 = vector.multi_reduction <maximumf>, %select_n3A_189, %reduce_max3A_190 [0] : vector<104x1024xf32> to vector<1024xf32>
      %broadcast_in_dim3A_192 = vector.shape_cast %reduce_max3A_191 : vector<1024xf32> to vector<1x1024xf32>
      %mul3A_193 = arith.constant 0.899999976 : f32
      %mul3A_194 = vector.broadcast %mul3A_193 : f32 to vector<1x1024xf32>
      %mul3A_195 = arith.mulf %mul3A_194, %broadcast_in_dim3A_192 : vector<1x1024xf32>
      %mul3A_196 = arith.constant 1.000000e-01 : f32
      %mul3A_197 = vector.broadcast %mul3A_196 : f32 to vector<1x1024xf32>
      %mul3A_198 = arith.mulf %mul3A_197, %dot_general3A_181 : vector<1x1024xf32>
      %add3A_199 = arith.addf %mul3A_195, %mul3A_198 : vector<1x1024xf32>
      %swap3A_200 = arith.constant 1 : index
      %swap3A_201 = arith.constant 0 : index
      %swap3A_202 = arith.constant 0 : index
      %swap3A_203 = vector.load %arg17[%swap3A_200, %swap3A_201, %swap3A_202] : memref<8x1x1024xf32, #tpu.memory_space<vmem>>, vector<1x1x1024xf32>
      %swap3A_204 = vector.shape_cast %swap3A_203 : vector<1x1x1024xf32> to vector<1x1024xf32>
      %swap3A_205 = vector.shape_cast %add3A_199 : vector<1x1024xf32> to vector<1x1x1024xf32>
      tpu.vector_store %arg17[%swap3A_200, %swap3A_201, %swap3A_202], %swap3A_205 {strides = array<i32>} : memref<8x1x1024xf32, #tpu.memory_space<vmem>>, vector<1x1x1024xf32>,
      %slice3A_206 = vector.extract_strided_slice %add3A_64 {offsets = [208, 0], sizes = [104, 1024], strides = [1, 1]} : vector<832x1024xf32> to vector<104x1024xf32>
      %slice3A_207 = vector.extract_strided_slice %max3A_77 {offsets = [208, 0], sizes = [104, 512], strides = [1, 1]} : vector<832x512xf32> to vector<104x512xf32>
      %get3A_208 = arith.constant 0 : index
      %get3A_209 = arith.constant 0 : index
      %get3A_210 = vector.load %arg15[%get3A_208, %get3A_209] : memref<1x512xf32, #tpu.memory_space<vmem>>, vector<1x512xf32>
      %dot_general3A_211 = arith.constant dense<0.000000e+00> : vector<1x104xf32>
      %dot_general3A_212 = tpu.matmul %get3A_210, %slice3A_207, %dot_general3A_211 {dimension_numbers = #tpu.dot_dimension_numbers<[1], [1], [0], [0], [0, 0, 1, 0], [], []>, transpose_lhs_hint = false} : vector<1x512xf32>, vector<104x512xf32>, vector<1x104xf32> -> vector<1x104xf32>
      %get3A_213 = arith.constant 0 : index
      %get3A_214 = arith.constant 0 : index
      %get3A_215 = vector.load %arg16[%get3A_213, %get3A_214] : memref<1x1xf32, #tpu.memory_space<vmem>>, vector<1x1xf32>
      %add3A_216 = vector.broadcast %get3A_215 : vector<1x1xf32> to vector<1x104xf32>
      %add3A_217 = arith.addf %dot_general3A_212, %add3A_216 : vector<1x104xf32>
      %get3A_218 = arith.constant 2 : index
      %get3A_219 = arith.constant 0 : index
      %get3A_220 = arith.constant 0 : index
      %get3A_221 = vector.load %arg3[%get3A_218, %get3A_219, %get3A_220] : memref<8x1x104xf32, #tpu.memory_space<vmem>>, vector<1x1x104xf32>
      %get3A_222 = vector.shape_cast %get3A_221 : vector<1x1x104xf32> to vector<1x104xf32>
      %mul3A_223 = arith.constant 1.000000e-01 : f32
      %mul3A_224 = vector.broadcast %mul3A_223 : f32 to vector<1x104xf32>
      %mul3A_225 = arith.mulf %mul3A_224, %get3A_222 : vector<1x104xf32>
      %add3A_226 = arith.addf %add3A_217, %mul3A_225 : vector<1x104xf32>
      %get3A_227 = arith.constant 2 : index
      %get3A_228 = arith.constant 0 : index
      %get3A_229 = arith.constant 0 : index
      %get3A_230 = vector.load %arg4[%get3A_227, %get3A_228, %get3A_229] : memref<8x1x1xi32, #tpu.memory_space<vmem>>, vector<1x1x1xi32>
      %get3A_231 = vector.extract %get3A_230[0, 0, 0] : i32 from vector<1x1x1xi32>
      %iota3A_232 = tpu.iota {dimensions = array<i32: 1>} : vector<1x104xi32>
      %lt3A_233 = vector.broadcast %get3A_231 : i32 to vector<1x104xi32>
      %lt3A_234 = arith.cmpi slt, %iota3A_232, %lt3A_233 : vector<1x104xi32>
      %jit3A_235 = arith.constant -1.000000e+04 : f32
      %broadcast_in_dim3A_236 = vector.broadcast %jit3A_235 : f32 to vector<1x104xf32>
      %select_n3A_237 = arith.select %lt3A_234, %add3A_226, %broadcast_in_dim3A_236 : vector<1x104xi1>, vector<1x104xf32>
      %reduce_max3A_238 = arith.constant dense<0xFF800000> : vector<1xf32>
      %reduce_max3A_239 = vector.multi_reduction <maximumf>, %select_n3A_237, %reduce_max3A_238 [1] : vector<1x104xf32> to vector<1xf32>
      %broadcast_in_dim3A_240 = vector.shape_cast %reduce_max3A_239 : vector<1xf32> to vector<1x1xf32>
      %sub3A_241 = vector.broadcast %broadcast_in_dim3A_240 : vector<1x1xf32> to vector<1x104xf32>
      %sub3A_242 = arith.subf %select_n3A_237, %sub3A_241 : vector<1x104xf32>
      %exp3A_243 = math.exp %sub3A_242 : vector<1x104xf32>
      %reduce_sum3A_244 = arith.constant dense<0.000000e+00> : vector<1xf32>
      %reduce_sum3A_245 = vector.multi_reduction <add>, %exp3A_243, %reduce_sum3A_244 [1] : vector<1x104xf32> to vector<1xf32>
      %broadcast_in_dim3A_246 = vector.shape_cast %reduce_sum3A_245 : vector<1xf32> to vector<1x1xf32>
      %div3A_247 = vector.broadcast %broadcast_in_dim3A_246 : vector<1x1xf32> to vector<1x104xf32>
      %div3A_248 = arith.divf %exp3A_243, %div3A_247 : vector<1x104xf32>
      %dot_general3A_249 = arith.constant dense<0.000000e+00> : vector<1x1024xf32>
      %dot_general3A_250 = tpu.matmul %div3A_248, %slice3A_206, %dot_general3A_249 {dimension_numbers = #tpu.dot_dimension_numbers<[1], [0], [0], [1], [0, 0, 1, 1], [], []>, transpose_lhs_hint = false} : vector<1x104xf32>, vector<104x1024xf32>, vector<1x1024xf32> -> vector<1x1024xf32>
      %iota3A_251 = tpu.iota {dimensions = array<i32: 0>} : vector<104x1xi32>
      %lt3A_252 = vector.broadcast %get3A_231 : i32 to vector<104x1xi32>
      %lt3A_253 = arith.cmpi slt, %iota3A_251, %lt3A_252 : vector<104x1xi32>
      %jit3A_254 = arith.constant -3.400000e+38 : f32
      %broadcast_in_dim3A_255 = vector.shape_cast %lt3A_253 : vector<104x1xi1> to vector<104x1xi1>
      %broadcast_in_dim3A_256 = vector.broadcast %broadcast_in_dim3A_255 : vector<104x1xi1> to vector<104x1024xi1>
      %broadcast_in_dim3A_257 = vector.broadcast %jit3A_254 : f32 to vector<104x1024xf32>
      %select_n3A_258 = arith.select %broadcast_in_dim3A_256, %slice3A_206, %broadcast_in_dim3A_257 : vector<104x1024xi1>, vector<104x1024xf32>
      %reduce_max3A_259 = arith.constant dense<0xFF800000> : vector<1024xf32>
      %reduce_max3A_260 = vector.multi_reduction <maximumf>, %select_n3A_258, %reduce_max3A_259 [0] : vector<104x1024xf32> to vector<1024xf32>
      %broadcast_in_dim3A_261 = vector.shape_cast %reduce_max3A_260 : vector<1024xf32> to vector<1x1024xf32>
      %mul3A_262 = arith.constant 0.899999976 : f32
      %mul3A_263 = vector.broadcast %mul3A_262 : f32 to vector<1x1024xf32>
      %mul3A_264 = arith.mulf %mul3A_263, %broadcast_in_dim3A_261 : vector<1x1024xf32>
      %mul3A_265 = arith.constant 1.000000e-01 : f32
      %mul3A_266 = vector.broadcast %mul3A_265 : f32 to vector<1x1024xf32>
      %mul3A_267 = arith.mulf %mul3A_266, %dot_general3A_250 : vector<1x1024xf32>
      %add3A_268 = arith.addf %mul3A_264, %mul3A_267 : vector<1x1024xf32>
      %swap3A_269 = arith.constant 2 : index
      %swap3A_270 = arith.constant 0 : index
      %swap3A_271 = arith.constant 0 : index
      %swap3A_272 = vector.load %arg17[%swap3A_269, %swap3A_270, %swap3A_271] : memref<8x1x1024xf32, #tpu.memory_space<vmem>>, vector<1x1x1024xf32>
      %swap3A_273 = vector.shape_cast %swap3A_272 : vector<1x1x1024xf32> to vector<1x1024xf32>
      %swap3A_274 = vector.shape_cast %add3A_268 : vector<1x1024xf32> to vector<1x1x1024xf32>
      tpu.vector_store %arg17[%swap3A_269, %swap3A_270, %swap3A_271], %swap3A_274 {strides = array<i32>} : memref<8x1x1024xf32, #tpu.memory_space<vmem>>, vector<1x1x1024xf32>,
      %slice3A_275 = vector.extract_strided_slice %add3A_64 {offsets = [312, 0], sizes = [104, 1024], strides = [1, 1]} : vector<832x1024xf32> to vector<104x1024xf32>
      %slice3A_276 = vector.extract_strided_slice %max3A_77 {offsets = [312, 0], sizes = [104, 512], strides = [1, 1]} : vector<832x512xf32> to vector<104x512xf32>
      %get3A_277 = arith.constant 0 : index
      %get3A_278 = arith.constant 0 : index
      %get3A_279 = vector.load %arg15[%get3A_277, %get3A_278] : memref<1x512xf32, #tpu.memory_space<vmem>>, vector<1x512xf32>
      %dot_general3A_280 = arith.constant dense<0.000000e+00> : vector<1x104xf32>
      %dot_general3A_281 = tpu.matmul %get3A_279, %slice3A_276, %dot_general3A_280 {dimension_numbers = #tpu.dot_dimension_numbers<[1], [1], [0], [0], [0, 0, 1, 0], [], []>, transpose_lhs_hint = false} : vector<1x512xf32>, vector<104x512xf32>, vector<1x104xf32> -> vector<1x104xf32>
      %get3A_282 = arith.constant 0 : index
      %get3A_283 = arith.constant 0 : index
      %get3A_284 = vector.load %arg16[%get3A_282, %get3A_283] : memref<1x1xf32, #tpu.memory_space<vmem>>, vector<1x1xf32>
      %add3A_285 = vector.broadcast %get3A_284 : vector<1x1xf32> to vector<1x104xf32>
      %add3A_286 = arith.addf %dot_general3A_281, %add3A_285 : vector<1x104xf32>
      %get3A_287 = arith.constant 3 : index
      %get3A_288 = arith.constant 0 : index
      %get3A_289 = arith.constant 0 : index
      %get3A_290 = vector.load %arg3[%get3A_287, %get3A_288, %get3A_289] : memref<8x1x104xf32, #tpu.memory_space<vmem>>, vector<1x1x104xf32>
      %get3A_291 = vector.shape_cast %get3A_290 : vector<1x1x104xf32> to vector<1x104xf32>
      %mul3A_292 = arith.constant 1.000000e-01 : f32
      %mul3A_293 = vector.broadcast %mul3A_292 : f32 to vector<1x104xf32>
      %mul3A_294 = arith.mulf %mul3A_293, %get3A_291 : vector<1x104xf32>
      %add3A_295 = arith.addf %add3A_286, %mul3A_294 : vector<1x104xf32>
      %get3A_296 = arith.constant 3 : index
      %get3A_297 = arith.constant 0 : index
      %get3A_298 = arith.constant 0 : index
      %get3A_299 = vector.load %arg4[%get3A_296, %get3A_297, %get3A_298] : memref<8x1x1xi32, #tpu.memory_space<vmem>>, vector<1x1x1xi32>
      %get3A_300 = vector.extract %get3A_299[0, 0, 0] : i32 from vector<1x1x1xi32>
      %iota3A_301 = tpu.iota {dimensions = array<i32: 1>} : vector<1x104xi32>
      %lt3A_302 = vector.broadcast %get3A_300 : i32 to vector<1x104xi32>
      %lt3A_303 = arith.cmpi slt, %iota3A_301, %lt3A_302 : vector<1x104xi32>
      %jit3A_304 = arith.constant -1.000000e+04 : f32
      %broadcast_in_dim3A_305 = vector.broadcast %jit3A_304 : f32 to vector<1x104xf32>
      %select_n3A_306 = arith.select %lt3A_303, %add3A_295, %broadcast_in_dim3A_305 : vector<1x104xi1>, vector<1x104xf32>
      %reduce_max3A_307 = arith.constant dense<0xFF800000> : vector<1xf32>
      %reduce_max3A_308 = vector.multi_reduction <maximumf>, %select_n3A_306, %reduce_max3A_307 [1] : vector<1x104xf32> to vector<1xf32>
      %broadcast_in_dim3A_309 = vector.shape_cast %reduce_max3A_308 : vector<1xf32> to vector<1x1xf32>
      %sub3A_310 = vector.broadcast %broadcast_in_dim3A_309 : vector<1x1xf32> to vector<1x104xf32>
      %sub3A_311 = arith.subf %select_n3A_306, %sub3A_310 : vector<1x104xf32>
      %exp3A_312 = math.exp %sub3A_311 : vector<1x104xf32>
      %reduce_sum3A_313 = arith.constant dense<0.000000e+00> : vector<1xf32>
      %reduce_sum3A_314 = vector.multi_reduction <add>, %exp3A_312, %reduce_sum3A_313 [1] : vector<1x104xf32> to vector<1xf32>
      %broadcast_in_dim3A_315 = vector.shape_cast %reduce_sum3A_314 : vector<1xf32> to vector<1x1xf32>
      %div3A_316 = vector.broadcast %broadcast_in_dim3A_315 : vector<1x1xf32> to vector<1x104xf32>
      %div3A_317 = arith.divf %exp3A_312, %div3A_316 : vector<1x104xf32>
      %dot_general3A_318 = arith.constant dense<0.000000e+00> : vector<1x1024xf32>
      %dot_general3A_319 = tpu.matmul %div3A_317, %slice3A_275, %dot_general3A_318 {dimension_numbers = #tpu.dot_dimension_numbers<[1], [0], [0], [1], [0, 0, 1, 1], [], []>, transpose_lhs_hint = false} : vector<1x104xf32>, vector<104x1024xf32>, vector<1x1024xf32> -> vector<1x1024xf32>
      %iota3A_320 = tpu.iota {dimensions = array<i32: 0>} : vector<104x1xi32>
      %lt3A_321 = vector.broadcast %get3A_300 : i32 to vector<104x1xi32>
      %lt3A_322 = arith.cmpi slt, %iota3A_320, %lt3A_321 : vector<104x1xi32>
      %jit3A_323 = arith.constant -3.400000e+38 : f32
      %broadcast_in_dim3A_324 = vector.shape_cast %lt3A_322 : vector<104x1xi1> to vector<104x1xi1>
      %broadcast_in_dim3A_325 = vector.broadcast %broadcast_in_dim3A_324 : vector<104x1xi1> to vector<104x1024xi1>
      %broadcast_in_dim3A_326 = vector.broadcast %jit3A_323 : f32 to vector<104x1024xf32>
      %select_n3A_327 = arith.select %broadcast_in_dim3A_325, %slice3A_275, %broadcast_in_dim3A_326 : vector<104x1024xi1>, vector<104x1024xf32>
      %reduce_max3A_328 = arith.constant dense<0xFF800000> : vector<1024xf32>
      %reduce_max3A_329 = vector.multi_reduction <maximumf>, %select_n3A_327, %reduce_max3A_328 [0] : vector<104x1024xf32> to vector<1024xf32>
      %broadcast_in_dim3A_330 = vector.shape_cast %reduce_max3A_329 : vector<1024xf32> to vector<1x1024xf32>
      %mul3A_331 = arith.constant 0.899999976 : f32
      %mul3A_332 = vector.broadcast %mul3A_331 : f32 to vector<1x1024xf32>
      %mul3A_333 = arith.mulf %mul3A_332, %broadcast_in_dim3A_330 : vector<1x1024xf32>
      %mul3A_334 = arith.constant 1.000000e-01 : f32
      %mul3A_335 = vector.broadcast %mul3A_334 : f32 to vector<1x1024xf32>
      %mul3A_336 = arith.mulf %mul3A_335, %dot_general3A_319 : vector<1x1024xf32>
      %add3A_337 = arith.addf %mul3A_333, %mul3A_336 : vector<1x1024xf32>
      %swap3A_338 = arith.constant 3 : index
      %swap3A_339 = arith.constant 0 : index
      %swap3A_340 = arith.constant 0 : index
      %swap3A_341 = vector.load %arg17[%swap3A_338, %swap3A_339, %swap3A_340] : memref<8x1x1024xf32, #tpu.memory_space<vmem>>, vector<1x1x1024xf32>
      %swap3A_342 = vector.shape_cast %swap3A_341 : vector<1x1x1024xf32> to vector<1x1024xf32>
      %swap3A_343 = vector.shape_cast %add3A_337 : vector<1x1024xf32> to vector<1x1x1024xf32>
      tpu.vector_store %arg17[%swap3A_338, %swap3A_339, %swap3A_340], %swap3A_343 {strides = array<i32>} : memref<8x1x1024xf32, #tpu.memory_space<vmem>>, vector<1x1x1024xf32>,
      %slice3A_344 = vector.extract_strided_slice %add3A_64 {offsets = [416, 0], sizes = [104, 1024], strides = [1, 1]} : vector<832x1024xf32> to vector<104x1024xf32>
      %slice3A_345 = vector.extract_strided_slice %max3A_77 {offsets = [416, 0], sizes = [104, 512], strides = [1, 1]} : vector<832x512xf32> to vector<104x512xf32>
      %get3A_346 = arith.constant 0 : index
      %get3A_347 = arith.constant 0 : index
      %get3A_348 = vector.load %arg15[%get3A_346, %get3A_347] : memref<1x512xf32, #tpu.memory_space<vmem>>, vector<1x512xf32>
      %dot_general3A_349 = arith.constant dense<0.000000e+00> : vector<1x104xf32>
      %dot_general3A_350 = tpu.matmul %get3A_348, %slice3A_345, %dot_general3A_349 {dimension_numbers = #tpu.dot_dimension_numbers<[1], [1], [0], [0], [0, 0, 1, 0], [], []>, transpose_lhs_hint = false} : vector<1x512xf32>, vector<104x512xf32>, vector<1x104xf32> -> vector<1x104xf32>
      %get3A_351 = arith.constant 0 : index
      %get3A_352 = arith.constant 0 : index
      %get3A_353 = vector.load %arg16[%get3A_351, %get3A_352] : memref<1x1xf32, #tpu.memory_space<vmem>>, vector<1x1xf32>
      %add3A_354 = vector.broadcast %get3A_353 : vector<1x1xf32> to vector<1x104xf32>
      %add3A_355 = arith.addf %dot_general3A_350, %add3A_354 : vector<1x104xf32>
      %get3A_356 = arith.constant 4 : index
      %get3A_357 = arith.constant 0 : index
      %get3A_358 = arith.constant 0 : index
      %get3A_359 = vector.load %arg3[%get3A_356, %get3A_357, %get3A_358] : memref<8x1x104xf32, #tpu.memory_space<vmem>>, vector<1x1x104xf32>
      %get3A_360 = vector.shape_cast %get3A_359 : vector<1x1x104xf32> to vector<1x104xf32>
      %mul3A_361 = arith.constant 1.000000e-01 : f32
      %mul3A_362 = vector.broadcast %mul3A_361 : f32 to vector<1x104xf32>
      %mul3A_363 = arith.mulf %mul3A_362, %get3A_360 : vector<1x104xf32>
      %add3A_364 = arith.addf %add3A_355, %mul3A_363 : vector<1x104xf32>
      %get3A_365 = arith.constant 4 : index
      %get3A_366 = arith.constant 0 : index
      %get3A_367 = arith.constant 0 : index
      %get3A_368 = vector.load %arg4[%get3A_365, %get3A_366, %get3A_367] : memref<8x1x1xi32, #tpu.memory_space<vmem>>, vector<1x1x1xi32>
      %get3A_369 = vector.extract %get3A_368[0, 0, 0] : i32 from vector<1x1x1xi32>
      %iota3A_370 = tpu.iota {dimensions = array<i32: 1>} : vector<1x104xi32>
      %lt3A_371 = vector.broadcast %get3A_369 : i32 to vector<1x104xi32>
      %lt3A_372 = arith.cmpi slt, %iota3A_370, %lt3A_371 : vector<1x104xi32>
      %jit3A_373 = arith.constant -1.000000e+04 : f32
      %broadcast_in_dim3A_374 = vector.broadcast %jit3A_373 : f32 to vector<1x104xf32>
      %select_n3A_375 = arith.select %lt3A_372, %add3A_364, %broadcast_in_dim3A_374 : vector<1x104xi1>, vector<1x104xf32>
      %reduce_max3A_376 = arith.constant dense<0xFF800000> : vector<1xf32>
      %reduce_max3A_377 = vector.multi_reduction <maximumf>, %select_n3A_375, %reduce_max3A_376 [1] : vector<1x104xf32> to vector<1xf32>
      %broadcast_in_dim3A_378 = vector.shape_cast %reduce_max3A_377 : vector<1xf32> to vector<1x1xf32>
      %sub3A_379 = vector.broadcast %broadcast_in_dim3A_378 : vector<1x1xf32> to vector<1x104xf32>
      %sub3A_380 = arith.subf %select_n3A_375, %sub3A_379 : vector<1x104xf32>
      %exp3A_381 = math.exp %sub3A_380 : vector<1x104xf32>
      %reduce_sum3A_382 = arith.constant dense<0.000000e+00> : vector<1xf32>
      %reduce_sum3A_383 = vector.multi_reduction <add>, %exp3A_381, %reduce_sum3A_382 [1] : vector<1x104xf32> to vector<1xf32>
      %broadcast_in_dim3A_384 = vector.shape_cast %reduce_sum3A_383 : vector<1xf32> to vector<1x1xf32>
      %div3A_385 = vector.broadcast %broadcast_in_dim3A_384 : vector<1x1xf32> to vector<1x104xf32>
      %div3A_386 = arith.divf %exp3A_381, %div3A_385 : vector<1x104xf32>
      %dot_general3A_387 = arith.constant dense<0.000000e+00> : vector<1x1024xf32>
      %dot_general3A_388 = tpu.matmul %div3A_386, %slice3A_344, %dot_general3A_387 {dimension_numbers = #tpu.dot_dimension_numbers<[1], [0], [0], [1], [0, 0, 1, 1], [], []>, transpose_lhs_hint = false} : vector<1x104xf32>, vector<104x1024xf32>, vector<1x1024xf32> -> vector<1x1024xf32>
      %iota3A_389 = tpu.iota {dimensions = array<i32: 0>} : vector<104x1xi32>
      %lt3A_390 = vector.broadcast %get3A_369 : i32 to vector<104x1xi32>
      %lt3A_391 = arith.cmpi slt, %iota3A_389, %lt3A_390 : vector<104x1xi32>
      %jit3A_392 = arith.constant -3.400000e+38 : f32
      %broadcast_in_dim3A_393 = vector.shape_cast %lt3A_391 : vector<104x1xi1> to vector<104x1xi1>
      %broadcast_in_dim3A_394 = vector.broadcast %broadcast_in_dim3A_393 : vector<104x1xi1> to vector<104x1024xi1>
      %broadcast_in_dim3A_395 = vector.broadcast %jit3A_392 : f32 to vector<104x1024xf32>
      %select_n3A_396 = arith.select %broadcast_in_dim3A_394, %slice3A_344, %broadcast_in_dim3A_395 : vector<104x1024xi1>, vector<104x1024xf32>
      %reduce_max3A_397 = arith.constant dense<0xFF800000> : vector<1024xf32>
      %reduce_max3A_398 = vector.multi_reduction <maximumf>, %select_n3A_396, %reduce_max3A_397 [0] : vector<104x1024xf32> to vector<1024xf32>
      %broadcast_in_dim3A_399 = vector.shape_cast %reduce_max3A_398 : vector<1024xf32> to vector<1x1024xf32>
      %mul3A_400 = arith.constant 0.899999976 : f32
      %mul3A_401 = vector.broadcast %mul3A_400 : f32 to vector<1x1024xf32>
      %mul3A_402 = arith.mulf %mul3A_401, %broadcast_in_dim3A_399 : vector<1x1024xf32>
      %mul3A_403 = arith.constant 1.000000e-01 : f32
      %mul3A_404 = vector.broadcast %mul3A_403 : f32 to vector<1x1024xf32>
      %mul3A_405 = arith.mulf %mul3A_404, %dot_general3A_388 : vector<1x1024xf32>
      %add3A_406 = arith.addf %mul3A_402, %mul3A_405 : vector<1x1024xf32>
      %swap3A_407 = arith.constant 4 : index
      %swap3A_408 = arith.constant 0 : index
      %swap3A_409 = arith.constant 0 : index
      %swap3A_410 = vector.load %arg17[%swap3A_407, %swap3A_408, %swap3A_409] : memref<8x1x1024xf32, #tpu.memory_space<vmem>>, vector<1x1x1024xf32>
      %swap3A_411 = vector.shape_cast %swap3A_410 : vector<1x1x1024xf32> to vector<1x1024xf32>
      %swap3A_412 = vector.shape_cast %add3A_406 : vector<1x1024xf32> to vector<1x1x1024xf32>
      tpu.vector_store %arg17[%swap3A_407, %swap3A_408, %swap3A_409], %swap3A_412 {strides = array<i32>} : memref<8x1x1024xf32, #tpu.memory_space<vmem>>, vector<1x1x1024xf32>,
      %slice3A_413 = vector.extract_strided_slice %add3A_64 {offsets = [520, 0], sizes = [104, 1024], strides = [1, 1]} : vector<832x1024xf32> to vector<104x1024xf32>
      %slice3A_414 = vector.extract_strided_slice %max3A_77 {offsets = [520, 0], sizes = [104, 512], strides = [1, 1]} : vector<832x512xf32> to vector<104x512xf32>
      %get3A_415 = arith.constant 0 : index
      %get3A_416 = arith.constant 0 : index
      %get3A_417 = vector.load %arg15[%get3A_415, %get3A_416] : memref<1x512xf32, #tpu.memory_space<vmem>>, vector<1x512xf32>
      %dot_general3A_418 = arith.constant dense<0.000000e+00> : vector<1x104xf32>
      %dot_general3A_419 = tpu.matmul %get3A_417, %slice3A_414, %dot_general3A_418 {dimension_numbers = #tpu.dot_dimension_numbers<[1], [1], [0], [0], [0, 0, 1, 0], [], []>, transpose_lhs_hint = false} : vector<1x512xf32>, vector<104x512xf32>, vector<1x104xf32> -> vector<1x104xf32>
      %get3A_420 = arith.constant 0 : index
      %get3A_421 = arith.constant 0 : index
      %get3A_422 = vector.load %arg16[%get3A_420, %get3A_421] : memref<1x1xf32, #tpu.memory_space<vmem>>, vector<1x1xf32>
      %add3A_423 = vector.broadcast %get3A_422 : vector<1x1xf32> to vector<1x104xf32>
      %add3A_424 = arith.addf %dot_general3A_419, %add3A_423 : vector<1x104xf32>
      %get3A_425 = arith.constant 5 : index
      %get3A_426 = arith.constant 0 : index
      %get3A_427 = arith.constant 0 : index
      %get3A_428 = vector.load %arg3[%get3A_425, %get3A_426, %get3A_427] : memref<8x1x104xf32, #tpu.memory_space<vmem>>, vector<1x1x104xf32>
      %get3A_429 = vector.shape_cast %get3A_428 : vector<1x1x104xf32> to vector<1x104xf32>
      %mul3A_430 = arith.constant 1.000000e-01 : f32
      %mul3A_431 = vector.broadcast %mul3A_430 : f32 to vector<1x104xf32>
      %mul3A_432 = arith.mulf %mul3A_431, %get3A_429 : vector<1x104xf32>
      %add3A_433 = arith.addf %add3A_424, %mul3A_432 : vector<1x104xf32>
      %get3A_434 = arith.constant 5 : index
      %get3A_435 = arith.constant 0 : index
      %get3A_436 = arith.constant 0 : index
      %get3A_437 = vector.load %arg4[%get3A_434, %get3A_435, %get3A_436] : memref<8x1x1xi32, #tpu.memory_space<vmem>>, vector<1x1x1xi32>
      %get3A_438 = vector.extract %get3A_437[0, 0, 0] : i32 from vector<1x1x1xi32>
      %iota3A_439 = tpu.iota {dimensions = array<i32: 1>} : vector<1x104xi32>
      %lt3A_440 = vector.broadcast %get3A_438 : i32 to vector<1x104xi32>
      %lt3A_441 = arith.cmpi slt, %iota3A_439, %lt3A_440 : vector<1x104xi32>
      %jit3A_442 = arith.constant -1.000000e+04 : f32
      %broadcast_in_dim3A_443 = vector.broadcast %jit3A_442 : f32 to vector<1x104xf32>
      %select_n3A_444 = arith.select %lt3A_441, %add3A_433, %broadcast_in_dim3A_443 : vector<1x104xi1>, vector<1x104xf32>
      %reduce_max3A_445 = arith.constant dense<0xFF800000> : vector<1xf32>
      %reduce_max3A_446 = vector.multi_reduction <maximumf>, %select_n3A_444, %reduce_max3A_445 [1] : vector<1x104xf32> to vector<1xf32>
      %broadcast_in_dim3A_447 = vector.shape_cast %reduce_max3A_446 : vector<1xf32> to vector<1x1xf32>
      %sub3A_448 = vector.broadcast %broadcast_in_dim3A_447 : vector<1x1xf32> to vector<1x104xf32>
      %sub3A_449 = arith.subf %select_n3A_444, %sub3A_448 : vector<1x104xf32>
      %exp3A_450 = math.exp %sub3A_449 : vector<1x104xf32>
      %reduce_sum3A_451 = arith.constant dense<0.000000e+00> : vector<1xf32>
      %reduce_sum3A_452 = vector.multi_reduction <add>, %exp3A_450, %reduce_sum3A_451 [1] : vector<1x104xf32> to vector<1xf32>
      %broadcast_in_dim3A_453 = vector.shape_cast %reduce_sum3A_452 : vector<1xf32> to vector<1x1xf32>
      %div3A_454 = vector.broadcast %broadcast_in_dim3A_453 : vector<1x1xf32> to vector<1x104xf32>
      %div3A_455 = arith.divf %exp3A_450, %div3A_454 : vector<1x104xf32>
      %dot_general3A_456 = arith.constant dense<0.000000e+00> : vector<1x1024xf32>
      %dot_general3A_457 = tpu.matmul %div3A_455, %slice3A_413, %dot_general3A_456 {dimension_numbers = #tpu.dot_dimension_numbers<[1], [0], [0], [1], [0, 0, 1, 1], [], []>, transpose_lhs_hint = false} : vector<1x104xf32>, vector<104x1024xf32>, vector<1x1024xf32> -> vector<1x1024xf32>
      %iota3A_458 = tpu.iota {dimensions = array<i32: 0>} : vector<104x1xi32>
      %lt3A_459 = vector.broadcast %get3A_438 : i32 to vector<104x1xi32>
      %lt3A_460 = arith.cmpi slt, %iota3A_458, %lt3A_459 : vector<104x1xi32>
      %jit3A_461 = arith.constant -3.400000e+38 : f32
      %broadcast_in_dim3A_462 = vector.shape_cast %lt3A_460 : vector<104x1xi1> to vector<104x1xi1>
      %broadcast_in_dim3A_463 = vector.broadcast %broadcast_in_dim3A_462 : vector<104x1xi1> to vector<104x1024xi1>
      %broadcast_in_dim3A_464 = vector.broadcast %jit3A_461 : f32 to vector<104x1024xf32>
      %select_n3A_465 = arith.select %broadcast_in_dim3A_463, %slice3A_413, %broadcast_in_dim3A_464 : vector<104x1024xi1>, vector<104x1024xf32>
      %reduce_max3A_466 = arith.constant dense<0xFF800000> : vector<1024xf32>
      %reduce_max3A_467 = vector.multi_reduction <maximumf>, %select_n3A_465, %reduce_max3A_466 [0] : vector<104x1024xf32> to vector<1024xf32>
      %broadcast_in_dim3A_468 = vector.shape_cast %reduce_max3A_467 : vector<1024xf32> to vector<1x1024xf32>
      %mul3A_469 = arith.constant 0.899999976 : f32
      %mul3A_470 = vector.broadcast %mul3A_469 : f32 to vector<1x1024xf32>
      %mul3A_471 = arith.mulf %mul3A_470, %broadcast_in_dim3A_468 : vector<1x1024xf32>
      %mul3A_472 = arith.constant 1.000000e-01 : f32
      %mul3A_473 = vector.broadcast %mul3A_472 : f32 to vector<1x1024xf32>
      %mul3A_474 = arith.mulf %mul3A_473, %dot_general3A_457 : vector<1x1024xf32>
      %add3A_475 = arith.addf %mul3A_471, %mul3A_474 : vector<1x1024xf32>
      %swap3A_476 = arith.constant 5 : index
      %swap3A_477 = arith.constant 0 : index
      %swap3A_478 = arith.constant 0 : index
      %swap3A_479 = vector.load %arg17[%swap3A_476, %swap3A_477, %swap3A_478] : memref<8x1x1024xf32, #tpu.memory_space<vmem>>, vector<1x1x1024xf32>
      %swap3A_480 = vector.shape_cast %swap3A_479 : vector<1x1x1024xf32> to vector<1x1024xf32>
      %swap3A_481 = vector.shape_cast %add3A_475 : vector<1x1024xf32> to vector<1x1x1024xf32>
      tpu.vector_store %arg17[%swap3A_476, %swap3A_477, %swap3A_478], %swap3A_481 {strides = array<i32>} : memref<8x1x1024xf32, #tpu.memory_space<vmem>>, vector<1x1x1024xf32>,
      %slice3A_482 = vector.extract_strided_slice %add3A_64 {offsets = [624, 0], sizes = [104, 1024], strides = [1, 1]} : vector<832x1024xf32> to vector<104x1024xf32>
      %slice3A_483 = vector.extract_strided_slice %max3A_77 {offsets = [624, 0], sizes = [104, 512], strides = [1, 1]} : vector<832x512xf32> to vector<104x512xf32>
      %get3A_484 = arith.constant 0 : index
      %get3A_485 = arith.constant 0 : index
      %get3A_486 = vector.load %arg15[%get3A_484, %get3A_485] : memref<1x512xf32, #tpu.memory_space<vmem>>, vector<1x512xf32>
      %dot_general3A_487 = arith.constant dense<0.000000e+00> : vector<1x104xf32>
      %dot_general3A_488 = tpu.matmul %get3A_486, %slice3A_483, %dot_general3A_487 {dimension_numbers = #tpu.dot_dimension_numbers<[1], [1], [0], [0], [0, 0, 1, 0], [], []>, transpose_lhs_hint = false} : vector<1x512xf32>, vector<104x512xf32>, vector<1x104xf32> -> vector<1x104xf32>
      %get3A_489 = arith.constant 0 : index
      %get3A_490 = arith.constant 0 : index
      %get3A_491 = vector.load %arg16[%get3A_489, %get3A_490] : memref<1x1xf32, #tpu.memory_space<vmem>>, vector<1x1xf32>
      %add3A_492 = vector.broadcast %get3A_491 : vector<1x1xf32> to vector<1x104xf32>
      %add3A_493 = arith.addf %dot_general3A_488, %add3A_492 : vector<1x104xf32>
      %get3A_494 = arith.constant 6 : index
      %get3A_495 = arith.constant 0 : index
      %get3A_496 = arith.constant 0 : index
      %get3A_497 = vector.load %arg3[%get3A_494, %get3A_495, %get3A_496] : memref<8x1x104xf32, #tpu.memory_space<vmem>>, vector<1x1x104xf32>
      %get3A_498 = vector.shape_cast %get3A_497 : vector<1x1x104xf32> to vector<1x104xf32>
      %mul3A_499 = arith.constant 1.000000e-01 : f32
      %mul3A_500 = vector.broadcast %mul3A_499 : f32 to vector<1x104xf32>
      %mul3A_501 = arith.mulf %mul3A_500, %get3A_498 : vector<1x104xf32>
      %add3A_502 = arith.addf %add3A_493, %mul3A_501 : vector<1x104xf32>
      %get3A_503 = arith.constant 6 : index
      %get3A_504 = arith.constant 0 : index
      %get3A_505 = arith.constant 0 : index
      %get3A_506 = vector.load %arg4[%get3A_503, %get3A_504, %get3A_505] : memref<8x1x1xi32, #tpu.memory_space<vmem>>, vector<1x1x1xi32>
      %get3A_507 = vector.extract %get3A_506[0, 0, 0] : i32 from vector<1x1x1xi32>
      %iota3A_508 = tpu.iota {dimensions = array<i32: 1>} : vector<1x104xi32>
      %lt3A_509 = vector.broadcast %get3A_507 : i32 to vector<1x104xi32>
      %lt3A_510 = arith.cmpi slt, %iota3A_508, %lt3A_509 : vector<1x104xi32>
      %jit3A_511 = arith.constant -1.000000e+04 : f32
      %broadcast_in_dim3A_512 = vector.broadcast %jit3A_511 : f32 to vector<1x104xf32>
      %select_n3A_513 = arith.select %lt3A_510, %add3A_502, %broadcast_in_dim3A_512 : vector<1x104xi1>, vector<1x104xf32>
      %reduce_max3A_514 = arith.constant dense<0xFF800000> : vector<1xf32>
      %reduce_max3A_515 = vector.multi_reduction <maximumf>, %select_n3A_513, %reduce_max3A_514 [1] : vector<1x104xf32> to vector<1xf32>
      %broadcast_in_dim3A_516 = vector.shape_cast %reduce_max3A_515 : vector<1xf32> to vector<1x1xf32>
      %sub3A_517 = vector.broadcast %broadcast_in_dim3A_516 : vector<1x1xf32> to vector<1x104xf32>
      %sub3A_518 = arith.subf %select_n3A_513, %sub3A_517 : vector<1x104xf32>
      %exp3A_519 = math.exp %sub3A_518 : vector<1x104xf32>
      %reduce_sum3A_520 = arith.constant dense<0.000000e+00> : vector<1xf32>
      %reduce_sum3A_521 = vector.multi_reduction <add>, %exp3A_519, %reduce_sum3A_520 [1] : vector<1x104xf32> to vector<1xf32>
      %broadcast_in_dim3A_522 = vector.shape_cast %reduce_sum3A_521 : vector<1xf32> to vector<1x1xf32>
      %div3A_523 = vector.broadcast %broadcast_in_dim3A_522 : vector<1x1xf32> to vector<1x104xf32>
      %div3A_524 = arith.divf %exp3A_519, %div3A_523 : vector<1x104xf32>
      %dot_general3A_525 = arith.constant dense<0.000000e+00> : vector<1x1024xf32>
      %dot_general3A_526 = tpu.matmul %div3A_524, %slice3A_482, %dot_general3A_525 {dimension_numbers = #tpu.dot_dimension_numbers<[1], [0], [0], [1], [0, 0, 1, 1], [], []>, transpose_lhs_hint = false} : vector<1x104xf32>, vector<104x1024xf32>, vector<1x1024xf32> -> vector<1x1024xf32>
      %iota3A_527 = tpu.iota {dimensions = array<i32: 0>} : vector<104x1xi32>
      %lt3A_528 = vector.broadcast %get3A_507 : i32 to vector<104x1xi32>
      %lt3A_529 = arith.cmpi slt, %iota3A_527, %lt3A_528 : vector<104x1xi32>
      %jit3A_530 = arith.constant -3.400000e+38 : f32
      %broadcast_in_dim3A_531 = vector.shape_cast %lt3A_529 : vector<104x1xi1> to vector<104x1xi1>
      %broadcast_in_dim3A_532 = vector.broadcast %broadcast_in_dim3A_531 : vector<104x1xi1> to vector<104x1024xi1>
      %broadcast_in_dim3A_533 = vector.broadcast %jit3A_530 : f32 to vector<104x1024xf32>
      %select_n3A_534 = arith.select %broadcast_in_dim3A_532, %slice3A_482, %broadcast_in_dim3A_533 : vector<104x1024xi1>, vector<104x1024xf32>
      %reduce_max3A_535 = arith.constant dense<0xFF800000> : vector<1024xf32>
      %reduce_max3A_536 = vector.multi_reduction <maximumf>, %select_n3A_534, %reduce_max3A_535 [0] : vector<104x1024xf32> to vector<1024xf32>
      %broadcast_in_dim3A_537 = vector.shape_cast %reduce_max3A_536 : vector<1024xf32> to vector<1x1024xf32>
      %mul3A_538 = arith.constant 0.899999976 : f32
      %mul3A_539 = vector.broadcast %mul3A_538 : f32 to vector<1x1024xf32>
      %mul3A_540 = arith.mulf %mul3A_539, %broadcast_in_dim3A_537 : vector<1x1024xf32>
      %mul3A_541 = arith.constant 1.000000e-01 : f32
      %mul3A_542 = vector.broadcast %mul3A_541 : f32 to vector<1x1024xf32>
      %mul3A_543 = arith.mulf %mul3A_542, %dot_general3A_526 : vector<1x1024xf32>
      %add3A_544 = arith.addf %mul3A_540, %mul3A_543 : vector<1x1024xf32>
      %swap3A_545 = arith.constant 6 : index
      %swap3A_546 = arith.constant 0 : index
      %swap3A_547 = arith.constant 0 : index
      %swap3A_548 = vector.load %arg17[%swap3A_545, %swap3A_546, %swap3A_547] : memref<8x1x1024xf32, #tpu.memory_space<vmem>>, vector<1x1x1024xf32>
      %swap3A_549 = vector.shape_cast %swap3A_548 : vector<1x1x1024xf32> to vector<1x1024xf32>
      %swap3A_550 = vector.shape_cast %add3A_544 : vector<1x1024xf32> to vector<1x1x1024xf32>
      tpu.vector_store %arg17[%swap3A_545, %swap3A_546, %swap3A_547], %swap3A_550 {strides = array<i32>} : memref<8x1x1024xf32, #tpu.memory_space<vmem>>, vector<1x1x1024xf32>,
      %slice3A_551 = vector.extract_strided_slice %add3A_64 {offsets = [728, 0], sizes = [104, 1024], strides = [1, 1]} : vector<832x1024xf32> to vector<104x1024xf32>
      %slice3A_552 = vector.extract_strided_slice %max3A_77 {offsets = [728, 0], sizes = [104, 512], strides = [1, 1]} : vector<832x512xf32> to vector<104x512xf32>
      %get3A_553 = arith.constant 0 : index
      %get3A_554 = arith.constant 0 : index
      %get3A_555 = vector.load %arg15[%get3A_553, %get3A_554] : memref<1x512xf32, #tpu.memory_space<vmem>>, vector<1x512xf32>
      %dot_general3A_556 = arith.constant dense<0.000000e+00> : vector<1x104xf32>
      %dot_general3A_557 = tpu.matmul %get3A_555, %slice3A_552, %dot_general3A_556 {dimension_numbers = #tpu.dot_dimension_numbers<[1], [1], [0], [0], [0, 0, 1, 0], [], []>, transpose_lhs_hint = false} : vector<1x512xf32>, vector<104x512xf32>, vector<1x104xf32> -> vector<1x104xf32>
      %get3A_558 = arith.constant 0 : index
      %get3A_559 = arith.constant 0 : index
      %get3A_560 = vector.load %arg16[%get3A_558, %get3A_559] : memref<1x1xf32, #tpu.memory_space<vmem>>, vector<1x1xf32>
      %add3A_561 = vector.broadcast %get3A_560 : vector<1x1xf32> to vector<1x104xf32>
      %add3A_562 = arith.addf %dot_general3A_557, %add3A_561 : vector<1x104xf32>
      %get3A_563 = arith.constant 7 : index
      %get3A_564 = arith.constant 0 : index
      %get3A_565 = arith.constant 0 : index
      %get3A_566 = vector.load %arg3[%get3A_563, %get3A_564, %get3A_565] : memref<8x1x104xf32, #tpu.memory_space<vmem>>, vector<1x1x104xf32>
      %get3A_567 = vector.shape_cast %get3A_566 : vector<1x1x104xf32> to vector<1x104xf32>
      %mul3A_568 = arith.constant 1.000000e-01 : f32
      %mul3A_569 = vector.broadcast %mul3A_568 : f32 to vector<1x104xf32>
      %mul3A_570 = arith.mulf %mul3A_569, %get3A_567 : vector<1x104xf32>
      %add3A_571 = arith.addf %add3A_562, %mul3A_570 : vector<1x104xf32>
      %get3A_572 = arith.constant 7 : index
      %get3A_573 = arith.constant 0 : index
      %get3A_574 = arith.constant 0 : index
      %get3A_575 = vector.load %arg4[%get3A_572, %get3A_573, %get3A_574] : memref<8x1x1xi32, #tpu.memory_space<vmem>>, vector<1x1x1xi32>
      %get3A_576 = vector.extract %get3A_575[0, 0, 0] : i32 from vector<1x1x1xi32>
      %iota3A_577 = tpu.iota {dimensions = array<i32: 1>} : vector<1x104xi32>
      %lt3A_578 = vector.broadcast %get3A_576 : i32 to vector<1x104xi32>
      %lt3A_579 = arith.cmpi slt, %iota3A_577, %lt3A_578 : vector<1x104xi32>
      %jit3A_580 = arith.constant -1.000000e+04 : f32
      %broadcast_in_dim3A_581 = vector.broadcast %jit3A_580 : f32 to vector<1x104xf32>
      %select_n3A_582 = arith.select %lt3A_579, %add3A_571, %broadcast_in_dim3A_581 : vector<1x104xi1>, vector<1x104xf32>
      %reduce_max3A_583 = arith.constant dense<0xFF800000> : vector<1xf32>
      %reduce_max3A_584 = vector.multi_reduction <maximumf>, %select_n3A_582, %reduce_max3A_583 [1] : vector<1x104xf32> to vector<1xf32>
      %broadcast_in_dim3A_585 = vector.shape_cast %reduce_max3A_584 : vector<1xf32> to vector<1x1xf32>
      %sub3A_586 = vector.broadcast %broadcast_in_dim3A_585 : vector<1x1xf32> to vector<1x104xf32>
      %sub3A_587 = arith.subf %select_n3A_582, %sub3A_586 : vector<1x104xf32>
      %exp3A_588 = math.exp %sub3A_587 : vector<1x104xf32>
      %reduce_sum3A_589 = arith.constant dense<0.000000e+00> : vector<1xf32>
      %reduce_sum3A_590 = vector.multi_reduction <add>, %exp3A_588, %reduce_sum3A_589 [1] : vector<1x104xf32> to vector<1xf32>
      %broadcast_in_dim3A_591 = vector.shape_cast %reduce_sum3A_590 : vector<1xf32> to vector<1x1xf32>
      %div3A_592 = vector.broadcast %broadcast_in_dim3A_591 : vector<1x1xf32> to vector<1x104xf32>
      %div3A_593 = arith.divf %exp3A_588, %div3A_592 : vector<1x104xf32>
      %dot_general3A_594 = arith.constant dense<0.000000e+00> : vector<1x1024xf32>
      %dot_general3A_595 = tpu.matmul %div3A_593, %slice3A_551, %dot_general3A_594 {dimension_numbers = #tpu.dot_dimension_numbers<[1], [0], [0], [1], [0, 0, 1, 1], [], []>, transpose_lhs_hint = false} : vector<1x104xf32>, vector<104x1024xf32>, vector<1x1024xf32> -> vector<1x1024xf32>
      %iota3A_596 = tpu.iota {dimensions = array<i32: 0>} : vector<104x1xi32>
      %lt3A_597 = vector.broadcast %get3A_576 : i32 to vector<104x1xi32>
      %lt3A_598 = arith.cmpi slt, %iota3A_596, %lt3A_597 : vector<104x1xi32>
      %jit3A_599 = arith.constant -3.400000e+38 : f32
      %broadcast_in_dim3A_600 = vector.shape_cast %lt3A_598 : vector<104x1xi1> to vector<104x1xi1>
      %broadcast_in_dim3A_601 = vector.broadcast %broadcast_in_dim3A_600 : vector<104x1xi1> to vector<104x1024xi1>
      %broadcast_in_dim3A_602 = vector.broadcast %jit3A_599 : f32 to vector<104x1024xf32>
      %select_n3A_603 = arith.select %broadcast_in_dim3A_601, %slice3A_551, %broadcast_in_dim3A_602 : vector<104x1024xi1>, vector<104x1024xf32>
      %reduce_max3A_604 = arith.constant dense<0xFF800000> : vector<1024xf32>
      %reduce_max3A_605 = vector.multi_reduction <maximumf>, %select_n3A_603, %reduce_max3A_604 [0] : vector<104x1024xf32> to vector<1024xf32>
      %broadcast_in_dim3A_606 = vector.shape_cast %reduce_max3A_605 : vector<1024xf32> to vector<1x1024xf32>
      %mul3A_607 = arith.constant 0.899999976 : f32
      %mul3A_608 = vector.broadcast %mul3A_607 : f32 to vector<1x1024xf32>
      %mul3A_609 = arith.mulf %mul3A_608, %broadcast_in_dim3A_606 : vector<1x1024xf32>
      %mul3A_610 = arith.constant 1.000000e-01 : f32
      %mul3A_611 = vector.broadcast %mul3A_610 : f32 to vector<1x1024xf32>
      %mul3A_612 = arith.mulf %mul3A_611, %dot_general3A_595 : vector<1x1024xf32>
      %add3A_613 = arith.addf %mul3A_609, %mul3A_612 : vector<1x1024xf32>
      %swap3A_614 = arith.constant 7 : index
      %swap3A_615 = arith.constant 0 : index
      %swap3A_616 = arith.constant 0 : index
      %swap3A_617 = vector.load %arg17[%swap3A_614, %swap3A_615, %swap3A_616] : memref<8x1x1024xf32, #tpu.memory_space<vmem>>, vector<1x1x1024xf32>
      %swap3A_618 = vector.shape_cast %swap3A_617 : vector<1x1x1024xf32> to vector<1x1024xf32>
      %swap3A_619 = vector.shape_cast %add3A_613 : vector<1x1024xf32> to vector<1x1x1024xf32>
      tpu.vector_store %arg17[%swap3A_614, %swap3A_615, %swap3A_616], %swap3A_619 {strides = array<i32>} : memref<8x1x1024xf32, #tpu.memory_space<vmem>>, vector<1x1x1024xf32>,
    } else {
    }
    return
  }
  func.func @transform_0(%arg0: i32, %arg1: i32) -> (i32, i32) {
    %eq3A = arith.constant 0 : i32
    %eq3A_0 = arith.cmpi eq, %arg0, %eq3A : i32
    %jit3A = arith.constant 0 : i32
    %select_n3A = arith.select %eq3A_0, %arg1, %jit3A : i32
    %c0_i32 = arith.constant 0 : i32
    %c0_i32_1 = arith.constant 0 : i32
    return %select_n3A, %c0_i32 : i32, i32
  }
  func.func @transform_1(%arg0: i32, %arg1: i32) -> (i32, i32, i32) {
    %c0_i32 = arith.constant 0 : i32
    %c0_i32_0 = arith.constant 0 : i32
    %c0_i32_1 = arith.constant 0 : i32
    return %arg1, %c0_i32, %c0_i32_0 : i32, i32, i32
  }
  func.func @transform_2(%arg0: i32, %arg1: i32) -> (i32, i32, i32) {
    %c0_i32 = arith.constant 0 : i32
    %c0_i32_0 = arith.constant 0 : i32
    %c0_i32_1 = arith.constant 0 : i32
    return %arg1, %c0_i32, %c0_i32_0 : i32, i32, i32
  }
  func.func @transform_3(%arg0: i32, %arg1: i32) -> (i32, i32) {
    %c0_i32 = arith.constant 0 : i32
    %c0_i32_0 = arith.constant 0 : i32
    %c0_i32_1 = arith.constant 0 : i32
    return %c0_i32, %c0_i32_0 : i32, i32
  }
  func.func @transform_4(%arg0: i32, %arg1: i32) -> (i32, i32) {
    %c0_i32 = arith.constant 0 : i32
    %c0_i32_0 = arith.constant 0 : i32
    %c0_i32_1 = arith.constant 0 : i32
    return %c0_i32, %c0_i32_0 : i32, i32
  }
  func.func @transform_5(%arg0: i32, %arg1: i32) -> (i32, i32) {
    %c0_i32 = arith.constant 0 : i32
    %c0_i32_0 = arith.constant 0 : i32
    %c0_i32_1 = arith.constant 0 : i32
    return %c0_i32, %c0_i32_0 : i32, i32
  }
  func.func @transform_6(%arg0: i32, %arg1: i32) -> (i32, i32) {
    %c0_i32 = arith.constant 0 : i32
    %c0_i32_0 = arith.constant 0 : i32
    %c0_i32_1 = arith.constant 0 : i32
    return %c0_i32, %c0_i32_0 : i32, i32
  }
  func.func @transform_7(%arg0: i32, %arg1: i32) -> (i32, i32) {
    %c0_i32 = arith.constant 0 : i32
    %c0_i32_0 = arith.constant 0 : i32
    %c0_i32_1 = arith.constant 0 : i32
    return %c0_i32, %c0_i32_0 : i32, i32
  }
  func.func @transform_8(%arg0: i32, %arg1: i32) -> (i32, i32) {
    %c0_i32 = arith.constant 0 : i32
    %c0_i32_0 = arith.constant 0 : i32
    %c0_i32_1 = arith.constant 0 : i32
    return %c0_i32, %c0_i32_0 : i32, i32
  }
  func.func @transform_9(%arg0: i32, %arg1: i32) -> (i32, i32) {
    %c0_i32 = arith.constant 0 : i32
    %c0_i32_0 = arith.constant 0 : i32
    %c0_i32_1 = arith.constant 0 : i32
    return %c0_i32, %c0_i32_0 : i32, i32
  }
  func.func @transform_10(%arg0: i32, %arg1: i32) -> (i32, i32) {
    %c0_i32 = arith.constant 0 : i32
    %c0_i32_0 = arith.constant 0 : i32
    %c0_i32_1 = arith.constant 0 : i32
    return %c0_i32, %c0_i32_0 : i32, i32
  }
  func.func @transform_11(%arg0: i32, %arg1: i32) -> (i32, i32) {
    %c0_i32 = arith.constant 0 : i32
    %c0_i32_0 = arith.constant 0 : i32
    %c0_i32_1 = arith.constant 0 : i32
    return %c0_i32, %c0_i32_0 : i32, i32
  }
  func.func @transform_12(%arg0: i32, %arg1: i32) -> (i32, i32) {
    %c0_i32 = arith.constant 0 : i32
    %c0_i32_0 = arith.constant 0 : i32
    %c0_i32_1 = arith.constant 0 : i32
    return %c0_i32, %c0_i32_0 : i32, i32
  }
  func.func @transform_13(%arg0: i32, %arg1: i32) -> (i32, i32) {
    %c0_i32 = arith.constant 0 : i32
    %c0_i32_0 = arith.constant 0 : i32
    %c0_i32_1 = arith.constant 0 : i32
    return %c0_i32, %c0_i32_0 : i32, i32
  }
  func.func @transform_14(%arg0: i32, %arg1: i32) -> (i32, i32) {
    %c0_i32 = arith.constant 0 : i32
    %c0_i32_0 = arith.constant 0 : i32
    %c0_i32_1 = arith.constant 0 : i32
    return %c0_i32, %c0_i32_0 : i32, i32
  }
  func.func @transform_15(%arg0: i32, %arg1: i32) -> (i32, i32, i32) {
    %c0_i32 = arith.constant 0 : i32
    %c0_i32_0 = arith.constant 0 : i32
    %c0_i32_1 = arith.constant 0 : i32
    return %arg1, %c0_i32, %c0_i32_0 : i32, i32, i32
  }
}

</mosaic_0001>

<sc_bundles>
// kernel: kernel.7.cloned.1.call-start
scs
__scs_entry_jumppad:
0x0: {  	(pc) =	sbr.rel $0x88, $3  }
0x1: {  	(tag) =	ssettag $0x0;
	lr =	simm.s32 $0x1  }
0x2: {  	[smem:$0x3F92] =	sst lr;
	_ =	strace $0xD0000000  }
0x3: {  	_ = 	snop  }
0x4: {  	_ = 	snop  }
0x5: {  	_ = 	snop  }
0x6: {  	_ = 	snop  }
0x7: {  	_ = 	snop  }
__scs_overlays_trampoline_lowered:
0x8: {  	[smem:$0x3FA1] =	sst s0  }
0x9: {  	[smem:$0x3FA2] =	sst s1  }
0xa: {  	[smem:$0x3FA3] =	sst s2  }
0xb: {  	[smem:$0x3FA4] =	sst s3  }
0xc: {  	[smem:$0x3FA5] =	sst s4  }
0xd: {  	[smem:$0x3FA6] =	sst s5  }
0xe: {  	[smem:$0x3FA7] =	sst s6  }
0xf: {  	[smem:$0x3FA8] =	sst s7  }
0x10: {  	[smem:$0x3FA9] =	sst s8  }
0x11: {  	[smem:$0x3FAA] =	sst s9;
	s0 =	simm.s32 @!p0 $0x0  }
0x12: {  	s1 =	sld [smem:$0x3F90];
	s0 =	simm.s32 @p0 $0x1  }
0x13: {  	[smem:$0x3FAB] =	sst s0;
	s0 =	simm.s32 @!p1 $0x0  }
0x14: {  	s2 =	sld [smem:$0x3F8F];
	s0 =	simm.s32 @p1 $0x1  }
0x15: {  	[smem:$0x3FAC] =	sst s0;
	s0 =	simm.s32 @!p2 $0x0  }
0x16: {  	s3 =	sld [smem:$0x3FDB];
	s0 =	simm.s32 @p2 $0x1  }
0x17: {  	s4 =	simm.s32 $0x1BF5;
	[smem:$0x3FAE] =	sst s0  }
0x18: {  	s0 =	sld [smem:$0x3F91];
	_ =	swait.ge [sflag:s4], $0x0  }
0x19: {  	s7 =	sld [smem:$0x3F92]  }
0x1a: {  	s8 =	sadd.s32 $0xFFFFE003, lr  }
0x1b: {  	s9 =	sadd.s32 $0xFFFFFEF7, lr;
	s5 =	simm.s32 $0xFFFFFFFF;
	p2 =	slt.u32 s8, $0xFFFFF086  }
0x1c: {  	p1 =	slt.u32 s9, $0xF7A;
	s5 =	simm.s32 @!p2 $0x0  }
0x1d: {  	s5 =	simm.s32 @p1 $0x1;
	p0 =	seq.s32 s7, s2  }
0x1e: {  	s7 =	smul.u32 @!p0 $0xF7A, s2;
	p2 =	seq.s32 @!p0 s5, $0x0  }
0x1f: {  	s9 =	smul.u32 $0xF7A, s1;
	s8 =	simm.s32 @!p0 $0x1BF5;
	p2 =	por !p2, p0  }
0x20: {  	[sflag:s8] =	ssyncset.s32 @!p0 $0xFFFFF086;
	s6 =	sadd.s32 @!p0 s3, s7;
	s7 =	simm.s32 @!p0 $0x108  }
0x21: {  	s3 =	sadd.s32 s3, s9;
	s6 =	sadd.s32 @!p0 $0x88, s6;
	s7 =	simm.s32 @p2 $0x1082  }
0x22: {  	[simem:s7], [sflag:s8] =	dma.local @!p0 [hbm:s6], $0xF7A  }
0x23: {  	s9 =	sor.u32 $0xD0000000, s2;
	s6 =	simm.s32 $0x108;
	_ =	swait.ge @!p0 [sflag:s8], $0x0  }
0x24: {  	s3 =	sadd.s32 $0x88, s3;
	s6 =	simm.s32 @!p1 $0x1082;
	[sflag:s4] =	ssyncset.s32 $0xFFFFF086  }
0x25: {  	[simem:s6], [sflag:s4] =	dma.local [hbm:s3], $0xF7A  }
0x26: {  	[smem:$0x3F92] =	sst s1;
	(tag) =	ssettag s2;
	_ =	strace s9  }
0x27: {  	s1 =	sld [smem:$0x3FA2]  }
0x28: {  	s2 =	sld [smem:$0x3FA3]  }
0x29: {  	s4 =	sld [smem:$0x3FA5]  }
0x2a: {  	p0 =	seq.s32 s5, $0x0;
	s5 =	sld [smem:$0x3FA6]  }
0x2b: {  	s6 =	sld [smem:$0x3FA7]  }
0x2c: {  	s7 =	sld [smem:$0x3FA8]  }
0x2d: {  	s3 =	simm.s32 $0x108;
	s8 =	sld [smem:$0x3FA9]  }
0x2e: {  	s3 =	simm.s32 @!p0 $0x1082;
	s9 =	sld [smem:$0x3FAA]  }
0x2f: {  	lr =	sadd.s32 s0, s3;
	s0 =	sld [smem:$0x3FA1]  }
0x30: {  	s3 =	sld [smem:$0x3FA4]  }
0x31: {  	[smem:$0x3FAD] =	sst s10  }
0x32: {  	s10 =	sld [smem:$0x3FAB];
	_ =	sdelay $0x3  }
0x33: {  	p0 =	seq.s32 s10, $0x1;
	s10 =	sld [smem:$0x3FAD];
	_ =	sdelay $0x3  }
0x34: {  	[smem:$0x3FAD] =	sst s10  }
0x35: {  	s10 =	sld [smem:$0x3FAC];
	_ =	sdelay $0x3  }
0x36: {  	p1 =	seq.s32 s10, $0x1;
	s10 =	sld [smem:$0x3FAD];
	_ =	sdelay $0x3  }
0x37: {  	[smem:$0x3FAD] =	sst s10  }
0x38: {  	s10 =	sld [smem:$0x3FAE]  }
0x39: {  	_ = 	snop;
	(pc) =	sbr.ind lr, $3  }
0x3a: {  	_ = 	snop  }
0x3b: {  	_ = 	snop  }
0x3c: {  	p2 =	seq.s32 s10, $0x1;
	s10 =	sld [smem:$0x3FAD]  }
0x3d: {  	_ =	shalt  }
0x3e: {  	_ =	shalt  }
0x3f: {  	_ =	shalt  }
0x40: {  	_ =	shalt  }
0x41: {  	_ =	shalt  }
0x42: {  	_ =	shalt  }
0x43: {  	_ =	shalt  }
0x44: {  	_ =	shalt  }
0x45: {  	_ =	shalt  }
0x46: {  	_ =	shalt  }
0x47: {  	_ =	shalt  }
0x48: {  	_ =	shalt  }
0x49: {  	_ =	shalt  }
0x4a: {  	_ =	shalt  }
0x4b: {  	_ =	shalt  }
0x4c: {  	_ =	shalt  }
0x4d: {  	_ =	shalt  }
0x4e: {  	_ =	shalt  }
0x4f: {  	_ =	shalt  }
0x50: {  	_ =	shalt  }
0x51: {  	_ =	shalt  }
0x52: {  	_ =	shalt  }
0x53: {  	_ =	shalt  }
0x54: {  	_ =	shalt  }
0x55: {  	_ =	shalt  }
0x56: {  	_ =	shalt  }
0x57: {  	_ =	shalt  }
0x58: {  	_ =	shalt  }
0x59: {  	_ =	shalt  }
0x5a: {  	_ =	shalt  }
0x5b: {  	_ =	shalt  }
0x5c: {  	_ =	shalt  }
0x5d: {  	_ =	shalt  }
0x5e: {  	_ =	shalt  }
0x5f: {  	_ =	shalt  }
0x60: {  	_ =	shalt  }
0x61: {  	_ =	shalt  }
0x62: {  	_ =	shalt  }
0x63: {  	_ =	shalt  }
0x64: {  	_ =	shalt  }
0x65: {  	_ =	shalt  }
0x66: {  	_ =	shalt  }
0x67: {  	_ =	shalt  }
0x68: {  	_ =	shalt  }
0x69: {  	_ =	shalt  }
0x6a: {  	_ =	shalt  }
0x6b: {  	_ =	shalt  }
0x6c: {  	_ =	shalt  }
0x6d: {  	_ =	shalt  }
0x6e: {  	_ =	shalt  }
0x6f: {  	_ =	shalt  }
0x70: {  	_ =	shalt  }
0x71: {  	_ =	shalt  }
0x72: {  	_ =	shalt  }
0x73: {  	_ =	shalt  }
0x74: {  	_ =	shalt  }
0x75: {  	_ =	shalt  }
0x76: {  	_ =	shalt  }
0x77: {  	_ =	shalt  }
0x78: {  	_ =	shalt  }
0x79: {  	_ =	shalt  }
0x7a: {  	_ =	shalt  }
0x7b: {  	_ =	shalt  }
0x7c: {  	_ =	shalt  }
0x7d: {  	_ =	shalt  }
0x7e: {  	_ =	shalt  }
0x7f: {  	_ =	shalt  }
0x80: {  	_ =	shalt  }
0x81: {  	_ =	shalt  }
0x82: {  	_ =	shalt  }
0x83: {  	_ =	shalt  }
0x84: {  	_ =	shalt  }
0x85: {  	_ =	shalt  }
0x86: {  	_ =	shalt  }
0x87: {  	_ =	shalt  }
.Lfunc_end0:
.L_simem_size_0:
called_computation_lowered:
.L_overlay_start_0:
0x88: {  	s2 =	sld [smem:$0x3FD9]  }
0x89: {  	s3 =	sld [smem:$0x3FFE];
	_ =	sdelay $0x1  }
0x8a: {  	s1 =	srdreg.scid  }
0x8b: {  	s0 =	sand.u32 $0x1, s1  }
0x8c: {  	s17 =	sshll.u32 s0, $0xA;
	s2 =	sadd.s32 s3, s2  }
0x8d: {  	s2 =	sadd.s32 s2, s17  }
0x8e: {  	[smem:$0x3FB9] =	sst s2  }
0x8f: {  	_ = 	snop  }
0x90: {  	s2 =	sld [smem:$0x3FC9]  }
0x91: {  	s18 =	sld [smem:$0x3FD0];
	(tm) =	ssettm $0x1  }
0x92: {  	s4 =	sld [smem:$0x3FFB];
	_ =	sdelay $0x3  }
0x93: {  	_ =	strace s4  }
0x94: {  	s4 =	sld [smem:$0x3FFC];
	_ =	sdelay $0x3  }
0x95: {  	_ =	strace s4  }
0x96: {  	s4 =	sld [smem:$0x3FFD];
	_ =	sdelay $0x3  }
0x97: {  	_ =	strace s4  }
0x98: {  	_ =	strace $0x8FFFFFFF  }
0x99: {  	s19 =	sld [smem:$0x3FDB];
	_ =	sdelay $0x1  }
0x9a: {  	s5 =	simm.s32 $_scs_section_size  }
0x9b: {  	s6 =	simm.s32 $_size__tile_overlayer_lowered;
	s7 =	simm.s32 $_tile_overlayer_lowered  }
0x9c: {  	s22 =	simm.s32 $0x1BFF;
	s21 =	sshll.u32 s7, $0x1;
	s4 =	sadd.s32 s5, s19  }
0x9d: {  	s8 =	simm.s32 $0x0;
	s20 =	sshll.u32 s6, $0x1;
	s6 =	sadd.s32 s21, s4  }
0x9e: {  	[timem:s8], [sflag:s22] =	dma.local [hbm:s6], s20  }
0x9f: {  	_ =	swait.ge [sflag:s22], s20  }
0xa0: {  	s5 =	ssub.s32 $0x0, s20;
	[sflag:s22] =	ssyncset.done $0x0  }
0xa1: {  	[sflag:s22] =	ssyncadd.s32 s5;
	_ =	sdelay $0x1  }
0xa2: {  	s23 =	simm.s32 $0x1B8B  }
0xa3: {  	_ =	swait.ge [sflag:s23], $0x1  }
0xa4: {  	[sflag:s23] =	ssyncset.done $0x0  }
0xa5: {  	s25 =	simm.s32 $0x1B8E;
	s24 =	sld [smem:$0x3FFE];
	[sflag:s23] =	ssyncadd.s32 $0xFFFFFFFF  }
0xa6: {  	s26 =	simm.s32 $execute0_lowered;
	[smem:$0x3FD2] =	sst s25  }
0xa7: {  	s6 =	sshll.u32 s26, $0x1;
	_ =	strace $0x80000046;
	[dreg:$0x1] =	wrdreg $0xFFFFFFFF  }
0xa8: {  	s28 =	simm.s32 $_size_execute0_lowered;
	s4 =	sadd.s32 s4, s6;
	[dreg:$0x0] =	wrdreg $0x0  }
0xa9: {  	s6 =	sshll.u32 s28, $0x1;
	[dreg:$0x2] =	wrdreg s4  }
0xaa: {  	[dreg:$0x3] =	wrdreg s6  }
0xab: {  	[dreg:$0x4] =	wrdreg $0xC0  }
0xac: {  	_ =	task [dreg:s8], $0x5FFFF  }
0xad: {  	[dreg:$0x1] =	wrdreg $0xFFFFFFFF  }
0xae: {  	[dreg:$0x0] =	wrdreg $0x60  }
0xaf: {  	[dreg:$0x2] =	wrdreg s2  }
0xb0: {  	[dreg:$0x3] =	wrdreg s18  }
0xb1: {  	[dreg:$0x4] =	wrdreg s24  }
0xb2: {  	[dreg:$0x5] =	wrdreg $0x9  }
0xb3: {  	_ =	task.clear_ibuf [dreg:s8], $0x6FFFF;
	_ =	strace $0x90000046  }
0xb4: {  	s29 =	simm.s32 $0x9;
	_ =	strace $0x80000048  }
0xb5: {  	_ =	swait.ge [sflag:s29], $0x1  }
0xb6: {  	[sflag:s29] =	ssyncadd.s32 $0xFFFFFFFF  }
0xb7: {  	_ =	strace $0x90000048  }
0xb8: {  	_ =	sfence  }
0xb9: {  	s30 =	sld [smem:$0x0];
	_ =	sdelay $0x2  }
0xba: {  	s31 =	sshll.u32 s1, $0xD;
	s1 =	sshrl.u32 s1, $0x2  }
0xbb: {  	s3 =	sand.u32 $0x4000, s31;
	s1 =	sadd.s32 s1, s30  }
0xbc: {  	s0 =	sor.u32 s3, s0;
	s1 =	sshll.u32 s1, $0x11  }
0xbd: {  	s0 =	sor.u32 s1, s0  }
0xbe: {  	s0 =	sadd.s32 $0x8F2B, s0  }
0xbf: {  	[sflag:s0] =	ssyncadd.remote.s32 $0x1  }
0xc0: {  	_ =	sfence.sel $0xFFFF  }
0xc1: {  	[dreg:$0x0] =	wrdreg $0xFFFFFFFF;
	(pc) =	sbr.abs _section_cstart, $3  }
0xc2: {  	[dreg:$0x1] =	wrdreg $0xFFFFFFFF  }
0xc3: {  	_ =	task.clear_ibuf [dreg:s8], $0x2FFFF;
	_ =	strace $0x9FFFFFFF  }
0xc4: {  	(tm) =	ssettm $0x7FFFFFFF  }
0xc5: {  	_ =	shalt  }
tec
execute0_lowered:
.L_overlay_start_1:
0x0: {  	(tag) =	ssettag $0x1  }
0x1: {  	s1 =	rddreg [dreg:$0x0]  }
0x2: {  	s2 =	rddreg [dreg:$0x1]  }
0x3: {  	s3 =	srdreg.scid;
	s0 =	stileid.u32  }
0x4: {  	s4 =	rddreg [dreg:$0x2];
	s25 =	simm.s32 $0x880;
	s26 =	simm.s32 $0x1080  }
0x5: {  	s9 =	simm.s32 $0x2080;
	s10 =	simm.s32 $0x2880;
	s11 =	simm.s32 $0x3080  }
0x6: {  	s12 =	simm.s32 $0x3880;
	s13 =	simm.s32 $0x4080;
	s14 =	simm.s32 $0x4880  }
0x7: {  	s15 =	simm.s32 $0x5080;
	s16 =	simm.s32 $0x5880;
	s17 =	simm.s32 $0x6080  }
0x8: {  	s18 =	simm.s32 $0x6880;
	s19 =	simm.s32 $0x7080;
	s20 =	simm.s32 $0x7880  }
0x9: {  	s21 =	simm.s32 $0x8080;
	s22 =	simm.s32 $0x8880;
	s28 =	simm.s32 $0xB080  }
0xa: {  	s29 =	simm.s32 $0xB880;
	s30 =	simm.s32 $0xC080;
	s31 =	simm.s32 $0xC880  }
0xb: {  	s5 =	sand.u32 $0x1, s3;
	s6 =	sshll.u32 s0, $0x1;
	s3 =	simm.s32 $0x0  }
0xc: {  	s6 =	sor.u32 s5, s6;
	[smem:$0x7FF] =	sst s3;
	s5 =	ssub.s32 $0x2, s5  }
0xd: {  	s7 =	smul.u32 $0x1A00, s6;
	_ =	strace $0x80000047;
	[dreg:$0x6] =	wrdreg s25  }
0xe: {  	s6 =	sshll.u32 s6, $0x4;
	s23 =	sshrl.u32 s5, $0x1;
	[dreg:$0x7] =	wrdreg s26  }
0xf: {  	s25 =	simm.s32 $0xA080;
	s26 =	simm.s32 $0xA880;
	s2 =	sadd.s32 s2, s6  }
0x10: {  	s5 =	ssub.s32 s5, s23;
	s6 =	simm.s32 $0x2;
	s23 =	simm.s32 $0x9080  }
0x11: {  	v2 =	vlaneseq.u32;
	s4 =	sadd.s32 s7, s4;
	[dreg:$0x4] =	wrdreg s2;
	s5 =	smax.u32 s5, $0x1  }
0x12: {  	vm0 =	vmmov $0xffff;
	v1 =	vshrl.u32 v2, $0x3;
	s7 =	simm.s32 $0x80;
	s2 =	simm.s32 $0x1;
	s24 =	sadd.s32 $0x2A00, s4  }
0x13: {  	v0 =	vand.u32 $0x7, v2;
	v2 =	vor.u32 $0x8, v2;
	v1 =	vmul.u32 $0x8, v1;
	s4 =	sadd.s32 $0x100, s1;
	[dreg:$0x5] =	wrdreg s24;
	s24 =	simm.s32 $0x9880  }
.LBB2_1:
0x14: {  	s0 =	rddreg [dreg:$0x4]  }
0x15: {  	[tilespmem:s3], [sflag:$0x2] =	stream.linear.gather [hbm4b:s0+s3], $0x80, $0x38;
	[tilespmem:$0xD080] =	vst v63  }
0x16: {  	_ =	swait.ge [sflag:s6], $0x80  }
0x17: {  	[sflag:s6] =	ssyncset.done $0x0  }
0x18: {  	[sflag:s6] =	ssyncadd.s32 $0xFFFFFF80  }
0x19: {  	v3 =	vld [tilespmem:$0x0];
	_ =	sdelay $0x4  }
0x1a: {  	v4 =	vshll.u32 v3, $0x2  }
0x1b: {  	v3 =	vand.u32 $0x7, v3;
	v4 =	vand.u32 $0xFFFFFFE0, v4  }
0x1c: {  	v3 =	vor.u32 v3, v4  }
0x1d: {  	v4 =	vperm.xlane v3, v0;
	_ =	sdelay $0x1  }
0x1e: {  	v4 =	vadd.s32 v1, v4;
	_ =	sdelay $0x1  }
0x1f: {  	v3 =	vperm.xlane v3, v2;
	_ =	sdelay $0x1  }
0x20: {  	v3 =	vadd.s32 v1, v3  }
0x21: {  	[tilespmem:s7], [sflag:$0x1] =	stream.indirect_vreg.gather [hbm4b:s1+s3], $0x80, v4, vm0, $0xb8;
	[tilespmem:$0xD080] =	vst v63  }
0x22: {  	s0 =	rddreg [dreg:$0x6]  }
0x23: {  	[tilespmem:s0], [sflag:$0x1] =	stream.indirect_vreg.gather [hbm4b:s4+s3], $0x80, v4, vm0, $0xb8;
	[tilespmem:$0xD080] =	vst v63  }
0x24: {  	s8 =	rddreg [dreg:$0x7]  }
0x25: {  	[tilespmem:s8], [sflag:$0x1] =	stream.indirect_vreg.gather [hbm4b:s1+s3], $0x80, v3, vm0, $0xb8;
	[tilespmem:$0xD080] =	vst v63  }
0x26: {  	s8 =	simm.s32 $0x1880  }
0x27: {  	[tilespmem:s8], [sflag:$0x1] =	stream.indirect_vreg.gather [hbm4b:s4+s3], $0x80, v3, vm0, $0xb8;
	[tilespmem:$0xD080] =	vst v63  }
0x28: {  	v3 =	vld [tilespmem:$0x10];
	_ =	sdelay $0x4  }
0x29: {  	v58 =	vshll.u32 v3, $0x2  }
0x2a: {  	v3 =	vand.u32 $0x7, v3;
	v4 =	vand.u32 $0xFFFFFFE0, v58  }
0x2b: {  	v3 =	vor.u32 v3, v4  }
0x2c: {  	v4 =	vperm.xlane v3, v0;
	_ =	sdelay $0x1  }
0x2d: {  	v4 =	vadd.s32 v1, v4;
	_ =	sdelay $0x1  }
0x2e: {  	v3 =	vperm.xlane v3, v2;
	_ =	sdelay $0x1  }
0x2f: {  	v3 =	vadd.s32 v1, v3  }
0x30: {  	[tilespmem:s9], [sflag:$0x1] =	stream.indirect_vreg.gather [hbm4b:s1+s3], $0x80, v4, vm0, $0xb8;
	[tilespmem:$0xD080] =	vst v63  }
0x31: {  	_ = 	snop  }
0x32: {  	[tilespmem:s10], [sflag:$0x1] =	stream.indirect_vreg.gather [hbm4b:s4+s3], $0x80, v4, vm0, $0xb8;
	[tilespmem:$0xD080] =	vst v63  }
0x33: {  	_ = 	snop  }
0x34: {  	[tilespmem:s11], [sflag:$0x1] =	stream.indirect_vreg.gather [hbm4b:s1+s3], $0x80, v3, vm0, $0xb8;
	[tilespmem:$0xD080] =	vst v63  }
0x35: {  	_ = 	snop  }
0x36: {  	[tilespmem:s12], [sflag:$0x1] =	stream.indirect_vreg.gather [hbm4b:s4+s3], $0x80, v3, vm0, $0xb8;
	[tilespmem:$0xD080] =	vst v63  }
0x37: {  	v3 =	vld [tilespmem:$0x20];
	_ =	sdelay $0x4  }
0x38: {  	v59 =	vshll.u32 v3, $0x2  }
0x39: {  	v3 =	vand.u32 $0x7, v3;
	v4 =	vand.u32 $0xFFFFFFE0, v59  }
0x3a: {  	v3 =	vor.u32 v3, v4  }
0x3b: {  	v4 =	vperm.xlane v3, v0;
	_ =	sdelay $0x1  }
0x3c: {  	v4 =	vadd.s32 v1, v4;
	_ =	sdelay $0x1  }
0x3d: {  	v3 =	vperm.xlane v3, v2;
	_ =	sdelay $0x1  }
0x3e: {  	v3 =	vadd.s32 v1, v3  }
0x3f: {  	[tilespmem:s13], [sflag:$0x1] =	stream.indirect_vreg.gather [hbm4b:s1+s3], $0x80, v4, vm0, $0xb8;
	[tilespmem:$0xD080] =	vst v63  }
0x40: {  	_ = 	snop  }
0x41: {  	[tilespmem:s14], [sflag:$0x1] =	stream.indirect_vreg.gather [hbm4b:s4+s3], $0x80, v4, vm0, $0xb8;
	[tilespmem:$0xD080] =	vst v63  }
0x42: {  	_ = 	snop  }
0x43: {  	[tilespmem:s15], [sflag:$0x1] =	stream.indirect_vreg.gather [hbm4b:s1+s3], $0x80, v3, vm0, $0xb8;
	[tilespmem:$0xD080] =	vst v63  }
0x44: {  	_ = 	snop  }
0x45: {  	[tilespmem:s16], [sflag:$0x1] =	stream.indirect_vreg.gather [hbm4b:s4+s3], $0x80, v3, vm0, $0xb8;
	[tilespmem:$0xD080] =	vst v63  }
0x46: {  	v3 =	vld [tilespmem:$0x30];
	_ =	sdelay $0x4  }
0x47: {  	v60 =	vshll.u32 v3, $0x2  }
0x48: {  	v3 =	vand.u32 $0x7, v3;
	v4 =	vand.u32 $0xFFFFFFE0, v60  }
0x49: {  	v3 =	vor.u32 v3, v4  }
0x4a: {  	v4 =	vperm.xlane v3, v0;
	_ =	sdelay $0x1  }
0x4b: {  	v4 =	vadd.s32 v1, v4;
	_ =	sdelay $0x1  }
0x4c: {  	v3 =	vperm.xlane v3, v2;
	_ =	sdelay $0x1  }
0x4d: {  	v3 =	vadd.s32 v1, v3  }
0x4e: {  	[tilespmem:s17], [sflag:$0x1] =	stream.indirect_vreg.gather [hbm4b:s1+s3], $0x80, v4, vm0, $0xb8;
	[tilespmem:$0xD080] =	vst v63  }
0x4f: {  	_ = 	snop  }
0x50: {  	[tilespmem:s18], [sflag:$0x1] =	stream.indirect_vreg.gather [hbm4b:s4+s3], $0x80, v4, vm0, $0xb8;
	[tilespmem:$0xD080] =	vst v63  }
0x51: {  	_ = 	snop  }
0x52: {  	[tilespmem:s19], [sflag:$0x1] =	stream.indirect_vreg.gather [hbm4b:s1+s3], $0x80, v3, vm0, $0xb8;
	[tilespmem:$0xD080] =	vst v63  }
0x53: {  	_ = 	snop  }
0x54: {  	[tilespmem:s20], [sflag:$0x1] =	stream.indirect_vreg.gather [hbm4b:s4+s3], $0x80, v3, vm0, $0xb8;
	[tilespmem:$0xD080] =	vst v63  }
0x55: {  	v3 =	vld [tilespmem:$0x40];
	_ =	sdelay $0x4  }
0x56: {  	v61 =	vshll.u32 v3, $0x2  }
0x57: {  	v3 =	vand.u32 $0x7, v3;
	v4 =	vand.u32 $0xFFFFFFE0, v61  }
0x58: {  	v3 =	vor.u32 v3, v4  }
0x59: {  	v4 =	vperm.xlane v3, v0;
	_ =	sdelay $0x1  }
0x5a: {  	v4 =	vadd.s32 v1, v4;
	_ =	sdelay $0x1  }
0x5b: {  	v3 =	vperm.xlane v3, v2;
	_ =	sdelay $0x1  }
0x5c: {  	v3 =	vadd.s32 v1, v3  }
0x5d: {  	[tilespmem:s21], [sflag:$0x1] =	stream.indirect_vreg.gather [hbm4b:s1+s3], $0x80, v4, vm0, $0xb8;
	[tilespmem:$0xD080] =	vst v63  }
0x5e: {  	_ = 	snop  }
0x5f: {  	[tilespmem:s22], [sflag:$0x1] =	stream.indirect_vreg.gather [hbm4b:s4+s3], $0x80, v4, vm0, $0xb8;
	[tilespmem:$0xD080] =	vst v63  }
0x60: {  	_ = 	snop  }
0x61: {  	[tilespmem:s23], [sflag:$0x1] =	stream.indirect_vreg.gather [hbm4b:s1+s3], $0x80, v3, vm0, $0xb8;
	[tilespmem:$0xD080] =	vst v63  }
0x62: {  	_ = 	snop  }
0x63: {  	[tilespmem:s24], [sflag:$0x1] =	stream.indirect_vreg.gather [hbm4b:s4+s3], $0x80, v3, vm0, $0xb8;
	[tilespmem:$0xD080] =	vst v63  }
0x64: {  	v3 =	vld [tilespmem:$0x50];
	_ =	sdelay $0x4  }
0x65: {  	v62 =	vshll.u32 v3, $0x2  }
0x66: {  	v3 =	vand.u32 $0x7, v3;
	v4 =	vand.u32 $0xFFFFFFE0, v62  }
0x67: {  	v3 =	vor.u32 v3, v4  }
0x68: {  	v4 =	vperm.xlane v3, v0;
	_ =	sdelay $0x1  }
0x69: {  	v4 =	vadd.s32 v1, v4;
	_ =	sdelay $0x1  }
0x6a: {  	v3 =	vperm.xlane v3, v2;
	_ =	sdelay $0x1  }
0x6b: {  	v3 =	vadd.s32 v1, v3  }
0x6c: {  	[tilespmem:s25], [sflag:$0x1] =	stream.indirect_vreg.gather [hbm4b:s1+s3], $0x80, v4, vm0, $0xb8;
	[tilespmem:$0xD080] =	vst v63  }
0x6d: {  	_ = 	snop  }
0x6e: {  	[tilespmem:s26], [sflag:$0x1] =	stream.indirect_vreg.gather [hbm4b:s4+s3], $0x80, v4, vm0, $0xb8;
	[tilespmem:$0xD080] =	vst v63  }
0x6f: {  	_ = 	snop  }
0x70: {  	[tilespmem:s28], [sflag:$0x1] =	stream.indirect_vreg.gather [hbm4b:s1+s3], $0x80, v3, vm0, $0xb8;
	[tilespmem:$0xD080] =	vst v63  }
0x71: {  	_ = 	snop  }
0x72: {  	[tilespmem:s29], [sflag:$0x1] =	stream.indirect_vreg.gather [hbm4b:s4+s3], $0x80, v3, vm0, $0xb8;
	[tilespmem:$0xD080] =	vst v63  }
0x73: {  	v3 =	vld.msk [tilespmem:$0x60], $0xff;
	_ =	sdelay $0x4  }
0x74: {  	v63 =	vshll.u32 v3, $0x2  }
0x75: {  	v3 =	vand.u32 $0x7, v3;
	v4 =	vand.u32 $0xFFFFFFE0, v63  }
0x76: {  	v3 =	vor.u32 v3, v4  }
0x77: {  	v3 =	vperm.xlane v3, v0;
	_ =	sdelay $0x1  }
0x78: {  	v3 =	vadd.s32 v1, v3;
	_ =	sdelay $0x4  }
0x79: {  	[tilespmem:s30], [sflag:$0x1] =	stream.indirect_vreg.gather [hbm4b:s1+s3], $0x80, v3, vm0, $0xb8;
	[tilespmem:$0xD080] =	vst v63  }
0x7a: {  	_ = 	snop  }
0x7b: {  	[tilespmem:s31], [sflag:$0x1] =	stream.indirect_vreg.gather [hbm4b:s4+s3], $0x80, v3, vm0, $0xb8;
	[tilespmem:$0xD080] =	vst v63  }
0x7c: {  	_ =	swait.ge [sflag:s2], $0xD000  }
0x7d: {  	p0 =	sne.s32 s5, $0x1;
	[sflag:s2] =	ssyncset.done $0x0  }
.Ltmp0:
0x7e: {  	s8 =	rddreg [dreg:$0x5];
	[sflag:s2] =	ssyncadd.s32 $0xFFFF3000;
	(pc) =	sbr.rel @p0 .LBB2_1-.Ltmp0, $4  }
0x7f: {  	[hbm4b:s8+s3] =	stream.linear.scatter [tilespmem:s7], [sflag:$0x2], $0xD000, $0x38;
	[tilespmem:$0xD080] =	vst v63  }
0x80: {  	_ =	swait.ge [sflag:s6], $0xD000  }
0x81: {  	[sflag:s6] =	ssyncset.done $0x0  }
0x82: {  	s5 =	sadd.s32 $0xFFFFFFFF, s5;
	[sflag:s6] =	ssyncadd.s32 $0xFFFF3000  }
0x83: {  	_ =	sfence.sel $0x180000  }
0x84: {  	[bflag:$0x0] =	sbarrier.arrive $0xFFFF  }
0x85: {  	_ =	strace $0x90000047  }
0x86: {  	s0 =	stileid.u32;
	[bflag:$0x2] =	sbarrier.arrive $0xFFFF  }
0x87: {  	p0 =	sne.s32 s0, $0x0;
	s0 =	rddreg [dreg:$0x3]  }
0x88: {  	s0 =	sadd.s32 @!p0 $0x100000, s0  }
0x89: {  	[sflag:s0] =	ssyncadd.tile.s32 @!p0 $0x1;
	_ =	shalt  }
.Lfunc_end2:
_tile_overlayer_lowered:
.L_overlay_start_2:
0x8a: {  	(tag) =	ssettag $0x2  }
0x8b: {  	s0 =	rddreg [dreg:$0x0];
	s2 =	stileid.u32  }
0x8c: {  	s1 =	rddreg [dreg:$0x1];
	p0 =	sne.s32 s2, $0x0  }
0x8d: {  	s3 =	rddreg [dreg:$0x2];
	[bflag:$0x3] =	sbarrier.arrive $0xFFFF;
	s2 =	simm.s32 @!p0 $0x1C02  }
0x8e: {  	[timem:s3], [sflag:s2] =	dma.local @!p0 [hbm:s0], s1  }
0x8f: {  	s0 =	simm.s32 @!p0 $0x2  }
0x90: {  	_ =	swait.ge @!p0 [sflag:s0], s1  }
0x91: {  	s1 =	ssub.s32 @!p0 $0x0, s1;
	[sflag:s0] =	ssyncset.done @!p0 $0x0  }
0x92: {  	[sflag:s0] =	ssyncadd.s32 @!p0 s1  }
0x93: {  	[bflag:$0x3] =	sbarrier.arrive $0xFFFF  }
0x94: {  	_ =	shalt  }

</sc_bundles>
